<compile_context>
chip_gen: v7x
topology: tpu7x:2x2x1
jax: 0.10.2.dev20260603
libtpu: 0.0.44.dev20260713+nightly
codegen_flags: <defaults>
</compile_context>

<pallas_src>
import functools

import jax
import jax.numpy as jnp
from jax import lax
from jax.experimental import pallas as pl
from jax.experimental.pallas import tpu as pltpu
from jax.experimental.pallas import tpu_sc as plsc

N = 10000
E = 320000
D_IN = 128
PROJ = 64
H1 = 64
H2 = 32
ATTN_H = 32
OUT = 16
NSPOT = 2000

NC = 2
NS = 16
NW = NC * NS
EPW = E // NW
CH = 80
NCHK = EPW // CH
W = 128
NACC = 10112
SROW = NACC // NS

PN = 12288
PPW = PN // NW
PCH = 96
PNCHK = PPW // PCH
ECOL = H2
NSPOTA = 2048
SPOTR = NSPOTA // NS


def _mesh():
    return plsc.VectorSubcoreMesh(core_axis_name="c", subcore_axis_name="s")



def _make_count():
    @functools.partial(
        pl.kernel,
        mesh=_mesh(),
        out_type=jax.ShapeDtypeStruct((NC, NACC, W), jnp.float32),
        scratch_types=[
            pltpu.VMEM((EPW,), jnp.int32),
            pltpu.VMEM((CH, W), jnp.float32),
            pltpu.VMEM_SHARED((NACC, W), jnp.float32),
        ],
    )
    def k(dst_hbm, ones_hbm, zeros_hbm, out_hbm, dst_v, ones_v, acc_sh):
        c = lax.axis_index("c")
        s = lax.axis_index("s")
        wid = s * NC + c
        pltpu.sync_copy(zeros_hbm.at[pl.ds(s * SROW, SROW)],
                        acc_sh.at[pl.ds(s * SROW, SROW)])
        pltpu.sync_copy(dst_hbm.at[pl.ds(wid * EPW, EPW)], dst_v)
        pltpu.sync_copy(ones_hbm, ones_v)
        plsc.subcore_barrier()

        def body(j, carry):
            o = pl.multiple_of(j * CH, 8)
            pltpu.sync_copy(ones_v, acc_sh.at[dst_v.at[pl.ds(o, CH)]],
                            add=True)
            return carry

        lax.fori_loop(0, NCHK, body, 0)
        plsc.subcore_barrier()
        pltpu.sync_copy(acc_sh.at[pl.ds(s * SROW, SROW)],
                        out_hbm.at[c, pl.ds(s * SROW, SROW)])

    return k


def _make_edge_scatter():
    @functools.partial(
        pl.kernel,
        mesh=_mesh(),
        out_type=jax.ShapeDtypeStruct((NC, NACC, W), jnp.float32),
        scratch_types=[
            pltpu.VMEM((EPW,), jnp.int32),
            pltpu.VMEM((EPW,), jnp.int32),
            pltpu.VMEM((CH, W), jnp.float32),
            pltpu.VMEM((CH, W), jnp.float32),
            pltpu.VMEM_SHARED((NACC, W), jnp.float32),
            pltpu.SemaphoreType.DMA,
            pltpu.SemaphoreType.DMA,
        ],
    )
    def k(src_hbm, dst_hbm, tab_hbm, zeros_hbm, out_hbm,
          src_v, dst_v, rowsa_v, rowsb_v, acc_sh, gsema, gsemb):
        c = lax.axis_index("c")
        s = lax.axis_index("s")
        wid = s * NC + c
        pltpu.sync_copy(zeros_hbm.at[pl.ds(s * SROW, SROW)],
                        acc_sh.at[pl.ds(s * SROW, SROW)])
        pltpu.sync_copy(src_hbm.at[pl.ds(wid * EPW, EPW)], src_v)
        pltpu.sync_copy(dst_hbm.at[pl.ds(wid * EPW, EPW)], dst_v)
        plsc.subcore_barrier()

        def sl(ref, j):
            return ref.at[pl.ds(pl.multiple_of(j * CH, 8), CH)]

        pltpu.async_copy(tab_hbm.at[sl(src_v, 0)], rowsa_v, gsema)

        def body(i, carry):
            j0 = 2 * i
            pltpu.async_copy(tab_hbm.at[sl(src_v, j0 + 1)], rowsb_v, gsemb)
            pltpu.make_async_copy(tab_hbm.at[sl(src_v, j0)], rowsa_v,
                                  gsema).wait()
            pltpu.sync_copy(rowsa_v, acc_sh.at[sl(dst_v, j0)], add=True)
            pltpu.async_copy(tab_hbm.at[sl(src_v, j0 + 2)], rowsa_v, gsema)
            pltpu.make_async_copy(tab_hbm.at[sl(src_v, j0 + 1)], rowsb_v,
                                  gsemb).wait()
            pltpu.sync_copy(rowsb_v, acc_sh.at[sl(dst_v, j0 + 1)], add=True)
            return carry

        lax.fori_loop(0, (NCHK - 1) // 2, body, 0)
        pltpu.make_async_copy(tab_hbm.at[sl(src_v, NCHK - 1)], rowsa_v,
                              gsema).wait()
        pltpu.sync_copy(rowsa_v, acc_sh.at[sl(dst_v, NCHK - 1)], add=True)
        plsc.subcore_barrier()
        pltpu.sync_copy(acc_sh.at[pl.ds(s * SROW, SROW)],
                        out_hbm.at[c, pl.ds(s * SROW, SROW)])

    return k


def _make_pool():
    @functools.partial(
        pl.kernel,
        mesh=_mesh(),
        out_type=jax.ShapeDtypeStruct((NC, NSPOTA, W), jnp.float32),
        scratch_types=[
            pltpu.VMEM((PCH,), jnp.int32),
            pltpu.VMEM((PPW, W), jnp.float32),
            pltpu.VMEM_SHARED((NSPOTA, W), jnp.float32),
        ],
    )
    def k(tab_hbm, sidx_hbm, zeros_hbm, out_hbm, idxf_v, rows_v, acc_sh):
        c = lax.axis_index("c")
        s = lax.axis_index("s")
        wid = s * NC + c
        pltpu.sync_copy(zeros_hbm.at[pl.ds(s * SPOTR, SPOTR)],
                        acc_sh.at[pl.ds(s * SPOTR, SPOTR)])
        pltpu.sync_copy(tab_hbm.at[pl.ds(wid * PPW, PPW)], rows_v)
        plsc.subcore_barrier()
        for j in range(PNCHK):
            pltpu.sync_copy(sidx_hbm.at[pl.ds(wid * PPW + j * PCH, PCH)], idxf_v)
            pltpu.sync_copy(rows_v.at[pl.ds(j * PCH, PCH)],
                            acc_sh.at[idxf_v], add=True)
        plsc.subcore_barrier()
        pltpu.sync_copy(acc_sh.at[pl.ds(s * SPOTR, SPOTR)],
                        out_hbm.at[c, pl.ds(s * SPOTR, SPOTR)])

    return k


_count = _make_count()
_scat = _make_edge_scatter()
_pool = _make_pool()



def _gnorm(h, w, b, ms):
    mean = jnp.mean(h, axis=0, keepdims=True)
    out = h - ms * mean
    var = jnp.mean(out * out, axis=0, keepdims=True)
    return w * out / jnp.sqrt(var + 1e-5) + b


def _dis_of(deg_ref):
    deg = deg_ref[0, :N, 0] + deg_ref[1, :N, 0] + 1.0
    return lax.rsqrt(deg)


def _pad_table(t):
    n, d = t.shape
    return jnp.pad(t, ((0, NACC - n), (0, W - d)))


def _tc1_body(x_ref, w1_ref, b1_ref, gw_ref, gb_ref, gms_ref, wg1_ref,
              deg_ref, g1p_ref):
    h = jnp.dot(x_ref[...], w1_ref[...], preferred_element_type=jnp.float32)
    h = _gnorm(h + b1_ref[...], gw_ref[...], gb_ref[...], gms_ref[...])
    h = jnp.maximum(h, 0.0)
    dis = _dis_of(deg_ref)
    g1 = jnp.dot(h, wg1_ref[...], preferred_element_type=jnp.float32)
    g1p_ref[...] = _pad_table(g1 * dis[:, None])


def _tc2_body(g1p_ref, acc_ref, deg_ref, bg1_ref, gw_ref, gb_ref, gms_ref,
              wg2_ref, g2p_ref):
    dis = _dis_of(deg_ref)
    agg = acc_ref[0, :N, :PROJ] + acc_ref[1, :N, :PROJ] + g1p_ref[:N, :PROJ]
    t = dis[:, None] * agg + bg1_ref[...]
    h = jnp.maximum(_gnorm(t, gw_ref[...], gb_ref[...], gms_ref[...]), 0.0)
    g2 = jnp.dot(h, wg2_ref[...], preferred_element_type=jnp.float32)
    g2p_ref[...] = _pad_table(g2 * dis[:, None])


def _tc3_body(g2p_ref, acc_ref, deg_ref, bg2_ref, gw_ref, gb_ref, gms_ref,
              wa1_ref, ba1_ref, wa2_ref, ba2_ref, t_ref):
    dis = _dis_of(deg_ref)
    agg = acc_ref[0, :N, :H2] + acc_ref[1, :N, :H2] + g2p_ref[:N, :H2]
    t = dis[:, None] * agg + bg2_ref[...]
    h2 = jnp.maximum(_gnorm(t, gw_ref[...], gb_ref[...], gms_ref[...]), 0.0)
    a = jnp.maximum(
        jnp.dot(h2, wa1_ref[...], preferred_element_type=jnp.float32)
        + ba1_ref[...], 0.0)
    sc = jnp.dot(a, wa2_ref[...], preferred_element_type=jnp.float32)[:, 0]
    sc = sc + ba2_ref[0, 0]
    e = jnp.exp(sc - jnp.max(sc))
    body = jnp.concatenate(
        [h2 * e[:, None], e[:, None], jnp.zeros((N, W - H2 - 1), jnp.float32)],
        axis=1)
    t_ref[...] = jnp.concatenate(
        [body, jnp.zeros((PN - N, W), jnp.float32)], axis=0)


def _tc4_body(acc_ref, wm1_ref, bm1_ref, gw_ref, gb_ref, gms_ref,
              wm2_ref, bm2_ref, out_ref):
    num = acc_ref[0, :NSPOT, :H2] + acc_ref[1, :NSPOT, :H2]
    den = acc_ref[0, :NSPOT, ECOL] + acc_ref[1, :NSPOT, ECOL]
    spot = num / (den + 1e-16)[:, None]
    z = jnp.dot(spot, wm1_ref[...], preferred_element_type=jnp.float32)
    z = jnp.maximum(_gnorm(z + bm1_ref[...], gw_ref[...], gb_ref[...],
                           gms_ref[...]), 0.0)
    out_ref[...] = jnp.dot(z, wm2_ref[...],
                           preferred_element_type=jnp.float32) + bm2_ref[...]


def _tc(body, out_shape, *args):
    return pl.pallas_call(body, out_shape=out_shape)(*args)



def kernel(x, edge_index, cell_to_spot, num_spots,
           W1, b1, gn0_w, gn0_b, gn0_ms,
           Wg1, bg1, gn1_w, gn1_b, gn1_ms,
           Wg2, bg2, gn2_w, gn2_b, gn2_ms,
           Wa1, ba1, Wa2, ba2,
           Wm1, bm1, gn3_w, gn3_b, gn3_ms,
           Wm2, bm2):
    del num_spots
    r = lambda v: v.reshape(1, -1)
    ei = edge_index.astype(jnp.int32)
    src1 = ei[0]
    dst1 = ei[1]
    pad_idx = jnp.arange(PN - N, dtype=jnp.int32) % NSPOT
    cs1 = jnp.concatenate([cell_to_spot.astype(jnp.int32), pad_idx])

    zeros_acc = jnp.zeros((NACC, W), jnp.float32)
    degacc = _count(dst1, jnp.ones((CH, W), jnp.float32), zeros_acc)

    g1p = _tc(_tc1_body, jax.ShapeDtypeStruct((NACC, W), jnp.float32),
              x, W1, r(b1), r(gn0_w), r(gn0_b), r(gn0_ms), Wg1, degacc)
    acc1 = _scat(src1, dst1, g1p, zeros_acc)

    g2p = _tc(_tc2_body, jax.ShapeDtypeStruct((NACC, W), jnp.float32),
              g1p, acc1, degacc, r(bg1), r(gn1_w), r(gn1_b), r(gn1_ms), Wg2)
    acc2 = _scat(src1, dst1, g2p, zeros_acc)

    tbl = _tc(_tc3_body, jax.ShapeDtypeStruct((PN, W), jnp.float32),
              g2p, acc2, degacc, r(bg2), r(gn2_w), r(gn2_b), r(gn2_ms),
              Wa1, r(ba1), Wa2, r(ba2))
    spotacc = _pool(tbl, cs1, jnp.zeros((NSPOTA, W), jnp.float32))

    return _tc(_tc4_body, jax.ShapeDtypeStruct((NSPOT, OUT), jnp.float32),
               spotacc, Wm1, r(bm1), r(gn3_w), r(gn3_b), r(gn3_ms),
               Wm2, r(bm2))

# --- scband reference (transcript-rebuilt; emitter-appended) ---
"""Pipeline reference for scband-gcnpipeline-41034117546446 (READ-ONLY COPY).

The authoritative reference and input builder live on the scoring server;
editing this copy changes nothing except your own understanding.
"""

import jax, jax.numpy as jnp
import numpy as np

N = 10000
E = 320000
D_IN = 128
PROJ = 64
H1 = 64
H2 = 32
ATTN_H = 32
OUT = 16
NUM_SPOTS = 2000


def _graph_norm(x, w, b, ms):
    mean = jnp.mean(x, axis=0, keepdims=True)
    out = x - ms * mean
    var = jnp.mean(out * out, axis=0, keepdims=True)
    return w * out / jnp.sqrt(var + 1e-5) + b


def _gcn_conv(x, edge_index, W, bias, num_nodes):
    loop = jnp.arange(num_nodes, dtype=edge_index.dtype)
    src = jnp.concatenate([edge_index[0], loop])
    dst = jnp.concatenate([edge_index[1], loop])
    deg = jax.ops.segment_sum(jnp.ones(src.shape[0], dtype=x.dtype), dst, num_segments=num_nodes)
    dis = jnp.where(deg > 0, 1.0 / jnp.sqrt(deg), 0.0)
    norm = dis[src] * dis[dst]
    h = x @ W
    msg = h[src] * norm[:, None]
    out = jax.ops.segment_sum(msg, dst, num_segments=num_nodes)
    return out + bias


def _segment_softmax(scores, seg, num_segments):
    smax = jax.ops.segment_max(scores, seg, num_segments=num_segments)
    smax = jnp.where(jnp.isfinite(smax), smax, 0.0)
    e = jnp.exp(scores - smax[seg])
    ssum = jax.ops.segment_sum(e, seg, num_segments=num_segments)
    return e / (ssum[seg] + 1e-16)


def _lin_init(key, fan_in, shape):
    bound = 1.0 / np.sqrt(fan_in)
    return jax.random.uniform(key, shape, minval=-bound, maxval=bound, dtype=jnp.float32)


def setup_inputs(seed: int = 0):
    key = jax.random.key(seed)
    ks = jax.random.split(key, 20)
    inp = {}
    inp["x"] = jax.random.normal(ks[0], (N, D_IN), dtype=jnp.float32)
    inp["edge_index"] = jax.random.randint(ks[1], (2, E), 0, N)
    inp["cell_to_spot"] = jnp.sort(jax.random.randint(ks[2], (N,), 0, NUM_SPOTS))
    inp["num_spots"] = NUM_SPOTS
    inp["W1"] = _lin_init(ks[3], D_IN, (D_IN, PROJ))
    inp["b1"] = _lin_init(ks[4], D_IN, (PROJ,))
    inp["gn0_w"] = jnp.ones((PROJ,), jnp.float32)
    inp["gn0_b"] = jnp.zeros((PROJ,), jnp.float32)
    inp["gn0_ms"] = jnp.ones((PROJ,), jnp.float32)
    inp["Wg1"] = _lin_init(ks[5], PROJ, (PROJ, H1))
    inp["bg1"] = jnp.zeros((H1,), jnp.float32)
    inp["gn1_w"] = jnp.ones((H1,), jnp.float32)
    inp["gn1_b"] = jnp.zeros((H1,), jnp.float32)
    inp["gn1_ms"] = jnp.ones((H1,), jnp.float32)
    inp["Wg2"] = _lin_init(ks[6], H1, (H1, H2))
    inp["bg2"] = jnp.zeros((H2,), jnp.float32)
    inp["gn2_w"] = jnp.ones((H2,), jnp.float32)
    inp["gn2_b"] = jnp.zeros((H2,), jnp.float32)
    inp["gn2_ms"] = jnp.ones((H2,), jnp.float32)
    inp["Wa1"] = _lin_init(ks[7], H2, (H2, ATTN_H))
    inp["ba1"] = _lin_init(ks[8], H2, (ATTN_H,))
    inp["Wa2"] = _lin_init(ks[9], ATTN_H, (ATTN_H, 1))
    inp["ba2"] = _lin_init(ks[10], ATTN_H, (1,))
    inp["Wm1"] = _lin_init(ks[11], H2, (H2, H2))
    inp["bm1"] = _lin_init(ks[12], H2, (H2,))
    inp["gn3_w"] = jnp.ones((H2,), jnp.float32)
    inp["gn3_b"] = jnp.zeros((H2,), jnp.float32)
    inp["gn3_ms"] = jnp.ones((H2,), jnp.float32)
    inp["Wm2"] = _lin_init(ks[13], H2, (H2, OUT))
    inp["bm2"] = _lin_init(ks[14], H2, (OUT,))
    return inp


def reference(x, edge_index, cell_to_spot, num_spots, W1, b1, gn0_w, gn0_b, gn0_ms, Wg1, bg1, gn1_w, gn1_b, gn1_ms, Wg2, bg2, gn2_w, gn2_b, gn2_ms, Wa1, ba1, Wa2, ba2, Wm1, bm1, gn3_w, gn3_b, gn3_ms, Wm2, bm2):
    num_nodes = x.shape[0]
    h = jax.nn.relu(_graph_norm(x @ W1 + b1, gn0_w, gn0_b, gn0_ms))
    h = jax.nn.relu(_graph_norm(_gcn_conv(h, edge_index, Wg1, bg1, num_nodes), gn1_w, gn1_b, gn1_ms))
    h = jax.nn.relu(_graph_norm(_gcn_conv(h, edge_index, Wg2, bg2, num_nodes), gn2_w, gn2_b, gn2_ms))
    scores = (jax.nn.relu(h @ Wa1 + ba1) @ Wa2 + ba2)[:, 0]
    scores = scores + jnp.asarray(0 * num_spots, dtype=scores.dtype)
    attn = _segment_softmax(scores, cell_to_spot, NUM_SPOTS)
    spot = jax.ops.segment_sum(h * attn[:, None], cell_to_spot, num_segments=NUM_SPOTS)
    z = jax.nn.relu(_graph_norm(spot @ Wm1 + bm1, gn3_w, gn3_b, gn3_ms))
    return z @ Wm2 + bm2

if __name__ == "__main__":
    import jax
    _d = setup_inputs()
    print(jax.jit(kernel)(*tuple(_d.values())))

</pallas_src>

<mosaic_0001>
#map = affine_map<(d0, d1) -> (0, 0)>
#map1 = affine_map<(d0, d1) -> (0)>
#map2 = affine_map<(d0, d1) -> (0, 0, 0)>
module attributes {stable_mosaic.version = 14 : i64} {
  func.func @k(%arg0: i32, %arg1: i32, %arg2: memref<12288x128xf32, #tpu.memory_space<hbm>>, %arg3: memref<12288xi32, #tpu.memory_space<hbm>>, %arg4: memref<2048x128xf32, #tpu.memory_space<hbm>>, %arg5: memref<2x2048x128xf32, #tpu.memory_space<hbm>>, %arg6: memref<96xi32, #tpu.memory_space<vmem>>, %arg7: memref<384x128xf32, #tpu.memory_space<vmem>>, %arg8: memref<2048x128xf32, #tpu.memory_space<vmem_shared>>) attributes {dimension_semantics = [#tpu.dimension_semantics<core_parallel>, #tpu.dimension_semantics<subcore_parallel>], iteration_bounds = array<i64: 2, 16>, scalar_prefetch = 0 : i64, scratch_operands = 3 : i64, tpu.core_type = #tpu.core_type<sc_vector_subcore>, window_params = [{transform_indices = #map}, {transform_indices = #map1}, {transform_indices = #map}, {transform_indices = #map2}]} {
    %mul3A = arith.constant 2 : i32
    %mul3A_0 = arith.muli %arg1, %mul3A : i32
    %add3A = arith.addi %mul3A_0, %arg0 : i32
    %mul3A_1 = arith.constant 128 : i32
    %mul3A_2 = arith.muli %arg1, %mul3A_1 : i32
    %mul3A_3 = arith.constant 128 : i32
    %mul3A_4 = arith.muli %arg1, %mul3A_3 : i32
    "tpu.region"() ({
      %run_scoped3A = tpu.sem_alloc : memref<!tpu.dma_semaphore, #tpu.memory_space<semaphore_mem>>
      %dma_start3A = arith.constant 0 : i32
      %dma_start3A_28 = tpu.memref_slice %arg8[%mul3A_4, %dma_start3A] : memref<2048x128xf32, #tpu.memory_space<vmem_shared>> -> memref<128x128xf32, #tpu.memory_space<vmem_shared>>
      %dma_start3A_29 = arith.constant 0 : i32
      %dma_start3A_30 = tpu.memref_slice %arg4[%mul3A_2, %dma_start3A_29] : memref<2048x128xf32, #tpu.memory_space<hbm>> -> memref<128x128xf32, #tpu.memory_space<hbm>>
      tpu.enqueue_dma source(%dma_start3A_30 : memref<128x128xf32, #tpu.memory_space<hbm>>) target(%dma_start3A_28 : memref<128x128xf32, #tpu.memory_space<vmem_shared>>) target_semaphore(%run_scoped3A : memref<!tpu.dma_semaphore, #tpu.memory_space<semaphore_mem>>)
      %dma_wait3A = arith.constant 0 : i32
      %dma_wait3A_31 = tpu.memref_slice %arg8[%mul3A_4, %dma_wait3A] : memref<2048x128xf32, #tpu.memory_space<vmem_shared>> -> memref<128x128xf32, #tpu.memory_space<vmem_shared>>
      %dma_wait3A_32 = arith.constant 0 : i32
      %dma_wait3A_33 = tpu.memref_slice %arg4[%mul3A_2, %dma_wait3A_32] : memref<2048x128xf32, #tpu.memory_space<hbm>> -> memref<128x128xf32, #tpu.memory_space<hbm>>
      tpu.wait_dma2 semaphore(%run_scoped3A : memref<!tpu.dma_semaphore, #tpu.memory_space<semaphore_mem>>) src(%dma_wait3A_33 : memref<128x128xf32, #tpu.memory_space<hbm>>) dst(%dma_wait3A_31 : memref<128x128xf32, #tpu.memory_space<vmem_shared>>)
      tpu.yield
    }) : () -> ()
    %mul3A_5 = arith.constant 384 : i32
    %mul3A_6 = arith.muli %add3A, %mul3A_5 : i32
    "tpu.region"() ({
      %run_scoped3A = tpu.sem_alloc : memref<!tpu.dma_semaphore, #tpu.memory_space<semaphore_mem>>
      %dma_start3A = arith.constant 0 : i32
      %dma_start3A_28 = tpu.memref_slice %arg2[%mul3A_6, %dma_start3A] : memref<12288x128xf32, #tpu.memory_space<hbm>> -> memref<384x128xf32, #tpu.memory_space<hbm>>
      %dma_start3A_29 = arith.constant 0 : i32
      %dma_start3A_30 = tpu.memref_slice %arg2[%mul3A_6, %dma_start3A_29] : memref<12288x128xf32, #tpu.memory_space<hbm>> -> memref<384x128xf32, #tpu.memory_space<hbm>>
      tpu.enqueue_dma source(%dma_start3A_30 : memref<384x128xf32, #tpu.memory_space<hbm>>) target(%arg7 : memref<384x128xf32, #tpu.memory_space<vmem>>) target_semaphore(%run_scoped3A : memref<!tpu.dma_semaphore, #tpu.memory_space<semaphore_mem>>)
      %dma_wait3A = arith.constant 0 : i32
      %dma_wait3A_31 = tpu.memref_slice %arg2[%mul3A_6, %dma_wait3A] : memref<12288x128xf32, #tpu.memory_space<hbm>> -> memref<384x128xf32, #tpu.memory_space<hbm>>
      %dma_wait3A_32 = arith.constant 0 : i32
      %dma_wait3A_33 = tpu.memref_slice %arg2[%mul3A_6, %dma_wait3A_32] : memref<12288x128xf32, #tpu.memory_space<hbm>> -> memref<384x128xf32, #tpu.memory_space<hbm>>
      tpu.wait_dma2 semaphore(%run_scoped3A : memref<!tpu.dma_semaphore, #tpu.memory_space<semaphore_mem>>) src(%dma_wait3A_33 : memref<384x128xf32, #tpu.memory_space<hbm>>) dst(%arg7 : memref<384x128xf32, #tpu.memory_space<vmem>>)
      tpu.yield
    }) : () -> ()
    %barrier3A = arith.constant 0 : index
    tpu.barrier barrier_id(%barrier3A)
    %mul3A_7 = arith.constant 384 : i32
    %mul3A_8 = arith.muli %add3A, %mul3A_7 : i32
    %add3A_9 = arith.constant 0 : i32
    %add3A_10 = arith.addi %mul3A_8, %add3A_9 : i32
    "tpu.region"() ({
      %run_scoped3A = tpu.sem_alloc : memref<!tpu.dma_semaphore, #tpu.memory_space<semaphore_mem>>
      %dma_start3A = tpu.memref_slice %arg3[%add3A_10] : memref<12288xi32, #tpu.memory_space<hbm>> -> memref<96xi32, #tpu.memory_space<hbm>>
      %dma_start3A_28 = tpu.memref_slice %arg3[%add3A_10] : memref<12288xi32, #tpu.memory_space<hbm>> -> memref<96xi32, #tpu.memory_space<hbm>>
      tpu.enqueue_dma source(%dma_start3A_28 : memref<96xi32, #tpu.memory_space<hbm>>) target(%arg6 : memref<96xi32, #tpu.memory_space<vmem>>) target_semaphore(%run_scoped3A : memref<!tpu.dma_semaphore, #tpu.memory_space<semaphore_mem>>)
      %dma_wait3A = tpu.memref_slice %arg3[%add3A_10] : memref<12288xi32, #tpu.memory_space<hbm>> -> memref<96xi32, #tpu.memory_space<hbm>>
      %dma_wait3A_29 = tpu.memref_slice %arg3[%add3A_10] : memref<12288xi32, #tpu.memory_space<hbm>> -> memref<96xi32, #tpu.memory_space<hbm>>
      tpu.wait_dma2 semaphore(%run_scoped3A : memref<!tpu.dma_semaphore, #tpu.memory_space<semaphore_mem>>) src(%dma_wait3A_29 : memref<96xi32, #tpu.memory_space<hbm>>) dst(%arg6 : memref<96xi32, #tpu.memory_space<vmem>>)
      tpu.yield
    }) : () -> ()
    "tpu.region"() ({
      %run_scoped3A = tpu.sem_alloc : memref<!tpu.dma_semaphore, #tpu.memory_space<semaphore_mem>>
      %dma_start3A = arith.constant 0 : i32
      %dma_start3A_28 = arith.constant 0 : i32
      %dma_start3A_29 = tpu.memref_slice %arg7[%dma_start3A, %dma_start3A_28] : memref<384x128xf32, #tpu.memory_space<vmem>> -> memref<96x128xf32, #tpu.memory_space<vmem>>
      %dma_start3A_30 = arith.constant 0 : i32
      %dma_start3A_31 = arith.constant 0 : i32
      %dma_start3A_32 = tpu.memref_slice %arg8[%dma_start3A_30, %dma_start3A_31] : memref<2048x128xf32, #tpu.memory_space<vmem_shared>> -> memref<2048x128xf32, #tpu.memory_space<vmem_shared>>
      tpu.enqueue_indirect_dma source(%dma_start3A_29 : memref<96x128xf32, #tpu.memory_space<vmem>>) target(%dma_start3A_32 : memref<2048x128xf32, #tpu.memory_space<vmem_shared>>) offsets(%arg6 : memref<96xi32, #tpu.memory_space<vmem>>) semaphore(%run_scoped3A : memref<!tpu.dma_semaphore, #tpu.memory_space<semaphore_mem>>) {add = true}
      %dma_wait3A = arith.constant 0 : i32
      %dma_wait3A_33 = arith.constant 0 : i32
      %dma_wait3A_34 = tpu.memref_slice %arg7[%dma_wait3A, %dma_wait3A_33] : memref<384x128xf32, #tpu.memory_space<vmem>> -> memref<96x128xf32, #tpu.memory_space<vmem>>
      %dma_wait3A_35 = arith.constant 0 : i32
      %dma_wait3A_36 = arith.constant 0 : i32
      %dma_wait3A_37 = tpu.memref_slice %arg8[%dma_wait3A_35, %dma_wait3A_36] : memref<2048x128xf32, #tpu.memory_space<vmem_shared>> -> memref<2048x128xf32, #tpu.memory_space<vmem_shared>>
      tpu.wait_indirect_dma semaphore(%run_scoped3A : memref<!tpu.dma_semaphore, #tpu.memory_space<semaphore_mem>>) src(%dma_wait3A_34 : memref<96x128xf32, #tpu.memory_space<vmem>>) dst(%dma_wait3A_37 : memref<2048x128xf32, #tpu.memory_space<vmem_shared>>)
      tpu.yield
    }) : () -> ()
    %mul3A_11 = arith.constant 384 : i32
    %mul3A_12 = arith.muli %add3A, %mul3A_11 : i32
    %add3A_13 = arith.constant 96 : i32
    %add3A_14 = arith.addi %mul3A_12, %add3A_13 : i32
    "tpu.region"() ({
      %run_scoped3A = tpu.sem_alloc : memref<!tpu.dma_semaphore, #tpu.memory_space<semaphore_mem>>
      %dma_start3A = tpu.memref_slice %arg3[%add3A_14] : memref<12288xi32, #tpu.memory_space<hbm>> -> memref<96xi32, #tpu.memory_space<hbm>>
      %dma_start3A_28 = tpu.memref_slice %arg3[%add3A_14] : memref<12288xi32, #tpu.memory_space<hbm>> -> memref<96xi32, #tpu.memory_space<hbm>>
      tpu.enqueue_dma source(%dma_start3A_28 : memref<96xi32, #tpu.memory_space<hbm>>) target(%arg6 : memref<96xi32, #tpu.memory_space<vmem>>) target_semaphore(%run_scoped3A : memref<!tpu.dma_semaphore, #tpu.memory_space<semaphore_mem>>)
      %dma_wait3A = tpu.memref_slice %arg3[%add3A_14] : memref<12288xi32, #tpu.memory_space<hbm>> -> memref<96xi32, #tpu.memory_space<hbm>>
      %dma_wait3A_29 = tpu.memref_slice %arg3[%add3A_14] : memref<12288xi32, #tpu.memory_space<hbm>> -> memref<96xi32, #tpu.memory_space<hbm>>
      tpu.wait_dma2 semaphore(%run_scoped3A : memref<!tpu.dma_semaphore, #tpu.memory_space<semaphore_mem>>) src(%dma_wait3A_29 : memref<96xi32, #tpu.memory_space<hbm>>) dst(%arg6 : memref<96xi32, #tpu.memory_space<vmem>>)
      tpu.yield
    }) : () -> ()
    "tpu.region"() ({
      %run_scoped3A = tpu.sem_alloc : memref<!tpu.dma_semaphore, #tpu.memory_space<semaphore_mem>>
      %dma_start3A = arith.constant 96 : i32
      %dma_start3A_28 = arith.constant 0 : i32
      %dma_start3A_29 = tpu.memref_slice %arg7[%dma_start3A, %dma_start3A_28] : memref<384x128xf32, #tpu.memory_space<vmem>> -> memref<96x128xf32, #tpu.memory_space<vmem>>
      %dma_start3A_30 = arith.constant 0 : i32
      %dma_start3A_31 = arith.constant 0 : i32
      %dma_start3A_32 = tpu.memref_slice %arg8[%dma_start3A_30, %dma_start3A_31] : memref<2048x128xf32, #tpu.memory_space<vmem_shared>> -> memref<2048x128xf32, #tpu.memory_space<vmem_shared>>
      tpu.enqueue_indirect_dma source(%dma_start3A_29 : memref<96x128xf32, #tpu.memory_space<vmem>>) target(%dma_start3A_32 : memref<2048x128xf32, #tpu.memory_space<vmem_shared>>) offsets(%arg6 : memref<96xi32, #tpu.memory_space<vmem>>) semaphore(%run_scoped3A : memref<!tpu.dma_semaphore, #tpu.memory_space<semaphore_mem>>) {add = true}
      %dma_wait3A = arith.constant 96 : i32
      %dma_wait3A_33 = arith.constant 0 : i32
      %dma_wait3A_34 = tpu.memref_slice %arg7[%dma_wait3A, %dma_wait3A_33] : memref<384x128xf32, #tpu.memory_space<vmem>> -> memref<96x128xf32, #tpu.memory_space<vmem>>
      %dma_wait3A_35 = arith.constant 0 : i32
      %dma_wait3A_36 = arith.constant 0 : i32
      %dma_wait3A_37 = tpu.memref_slice %arg8[%dma_wait3A_35, %dma_wait3A_36] : memref<2048x128xf32, #tpu.memory_space<vmem_shared>> -> memref<2048x128xf32, #tpu.memory_space<vmem_shared>>
      tpu.wait_indirect_dma semaphore(%run_scoped3A : memref<!tpu.dma_semaphore, #tpu.memory_space<semaphore_mem>>) src(%dma_wait3A_34 : memref<96x128xf32, #tpu.memory_space<vmem>>) dst(%dma_wait3A_37 : memref<2048x128xf32, #tpu.memory_space<vmem_shared>>)
      tpu.yield
    }) : () -> ()
    %mul3A_15 = arith.constant 384 : i32
    %mul3A_16 = arith.muli %add3A, %mul3A_15 : i32
    %add3A_17 = arith.constant 192 : i32
    %add3A_18 = arith.addi %mul3A_16, %add3A_17 : i32
    "tpu.region"() ({
      %run_scoped3A = tpu.sem_alloc : memref<!tpu.dma_semaphore, #tpu.memory_space<semaphore_mem>>
      %dma_start3A = tpu.memref_slice %arg3[%add3A_18] : memref<12288xi32, #tpu.memory_space<hbm>> -> memref<96xi32, #tpu.memory_space<hbm>>
      %dma_start3A_28 = tpu.memref_slice %arg3[%add3A_18] : memref<12288xi32, #tpu.memory_space<hbm>> -> memref<96xi32, #tpu.memory_space<hbm>>
      tpu.enqueue_dma source(%dma_start3A_28 : memref<96xi32, #tpu.memory_space<hbm>>) target(%arg6 : memref<96xi32, #tpu.memory_space<vmem>>) target_semaphore(%run_scoped3A : memref<!tpu.dma_semaphore, #tpu.memory_space<semaphore_mem>>)
      %dma_wait3A = tpu.memref_slice %arg3[%add3A_18] : memref<12288xi32, #tpu.memory_space<hbm>> -> memref<96xi32, #tpu.memory_space<hbm>>
      %dma_wait3A_29 = tpu.memref_slice %arg3[%add3A_18] : memref<12288xi32, #tpu.memory_space<hbm>> -> memref<96xi32, #tpu.memory_space<hbm>>
      tpu.wait_dma2 semaphore(%run_scoped3A : memref<!tpu.dma_semaphore, #tpu.memory_space<semaphore_mem>>) src(%dma_wait3A_29 : memref<96xi32, #tpu.memory_space<hbm>>) dst(%arg6 : memref<96xi32, #tpu.memory_space<vmem>>)
      tpu.yield
    }) : () -> ()
    "tpu.region"() ({
      %run_scoped3A = tpu.sem_alloc : memref<!tpu.dma_semaphore, #tpu.memory_space<semaphore_mem>>
      %dma_start3A = arith.constant 192 : i32
      %dma_start3A_28 = arith.constant 0 : i32
      %dma_start3A_29 = tpu.memref_slice %arg7[%dma_start3A, %dma_start3A_28] : memref<384x128xf32, #tpu.memory_space<vmem>> -> memref<96x128xf32, #tpu.memory_space<vmem>>
      %dma_start3A_30 = arith.constant 0 : i32
      %dma_start3A_31 = arith.constant 0 : i32
      %dma_start3A_32 = tpu.memref_slice %arg8[%dma_start3A_30, %dma_start3A_31] : memref<2048x128xf32, #tpu.memory_space<vmem_shared>> -> memref<2048x128xf32, #tpu.memory_space<vmem_shared>>
      tpu.enqueue_indirect_dma source(%dma_start3A_29 : memref<96x128xf32, #tpu.memory_space<vmem>>) target(%dma_start3A_32 : memref<2048x128xf32, #tpu.memory_space<vmem_shared>>) offsets(%arg6 : memref<96xi32, #tpu.memory_space<vmem>>) semaphore(%run_scoped3A : memref<!tpu.dma_semaphore, #tpu.memory_space<semaphore_mem>>) {add = true}
      %dma_wait3A = arith.constant 192 : i32
      %dma_wait3A_33 = arith.constant 0 : i32
      %dma_wait3A_34 = tpu.memref_slice %arg7[%dma_wait3A, %dma_wait3A_33] : memref<384x128xf32, #tpu.memory_space<vmem>> -> memref<96x128xf32, #tpu.memory_space<vmem>>
      %dma_wait3A_35 = arith.constant 0 : i32
      %dma_wait3A_36 = arith.constant 0 : i32
      %dma_wait3A_37 = tpu.memref_slice %arg8[%dma_wait3A_35, %dma_wait3A_36] : memref<2048x128xf32, #tpu.memory_space<vmem_shared>> -> memref<2048x128xf32, #tpu.memory_space<vmem_shared>>
      tpu.wait_indirect_dma semaphore(%run_scoped3A : memref<!tpu.dma_semaphore, #tpu.memory_space<semaphore_mem>>) src(%dma_wait3A_34 : memref<96x128xf32, #tpu.memory_space<vmem>>) dst(%dma_wait3A_37 : memref<2048x128xf32, #tpu.memory_space<vmem_shared>>)
      tpu.yield
    }) : () -> ()
    %mul3A_19 = arith.constant 384 : i32
    %mul3A_20 = arith.muli %add3A, %mul3A_19 : i32
    %add3A_21 = arith.constant 288 : i32
    %add3A_22 = arith.addi %mul3A_20, %add3A_21 : i32
    "tpu.region"() ({
      %run_scoped3A = tpu.sem_alloc : memref<!tpu.dma_semaphore, #tpu.memory_space<semaphore_mem>>
      %dma_start3A = tpu.memref_slice %arg3[%add3A_22] : memref<12288xi32, #tpu.memory_space<hbm>> -> memref<96xi32, #tpu.memory_space<hbm>>
      %dma_start3A_28 = tpu.memref_slice %arg3[%add3A_22] : memref<12288xi32, #tpu.memory_space<hbm>> -> memref<96xi32, #tpu.memory_space<hbm>>
      tpu.enqueue_dma source(%dma_start3A_28 : memref<96xi32, #tpu.memory_space<hbm>>) target(%arg6 : memref<96xi32, #tpu.memory_space<vmem>>) target_semaphore(%run_scoped3A : memref<!tpu.dma_semaphore, #tpu.memory_space<semaphore_mem>>)
      %dma_wait3A = tpu.memref_slice %arg3[%add3A_22] : memref<12288xi32, #tpu.memory_space<hbm>> -> memref<96xi32, #tpu.memory_space<hbm>>
      %dma_wait3A_29 = tpu.memref_slice %arg3[%add3A_22] : memref<12288xi32, #tpu.memory_space<hbm>> -> memref<96xi32, #tpu.memory_space<hbm>>
      tpu.wait_dma2 semaphore(%run_scoped3A : memref<!tpu.dma_semaphore, #tpu.memory_space<semaphore_mem>>) src(%dma_wait3A_29 : memref<96xi32, #tpu.memory_space<hbm>>) dst(%arg6 : memref<96xi32, #tpu.memory_space<vmem>>)
      tpu.yield
    }) : () -> ()
    "tpu.region"() ({
      %run_scoped3A = tpu.sem_alloc : memref<!tpu.dma_semaphore, #tpu.memory_space<semaphore_mem>>
      %dma_start3A = arith.constant 288 : i32
      %dma_start3A_28 = arith.constant 0 : i32
      %dma_start3A_29 = tpu.memref_slice %arg7[%dma_start3A, %dma_start3A_28] : memref<384x128xf32, #tpu.memory_space<vmem>> -> memref<96x128xf32, #tpu.memory_space<vmem>>
      %dma_start3A_30 = arith.constant 0 : i32
      %dma_start3A_31 = arith.constant 0 : i32
      %dma_start3A_32 = tpu.memref_slice %arg8[%dma_start3A_30, %dma_start3A_31] : memref<2048x128xf32, #tpu.memory_space<vmem_shared>> -> memref<2048x128xf32, #tpu.memory_space<vmem_shared>>
      tpu.enqueue_indirect_dma source(%dma_start3A_29 : memref<96x128xf32, #tpu.memory_space<vmem>>) target(%dma_start3A_32 : memref<2048x128xf32, #tpu.memory_space<vmem_shared>>) offsets(%arg6 : memref<96xi32, #tpu.memory_space<vmem>>) semaphore(%run_scoped3A : memref<!tpu.dma_semaphore, #tpu.memory_space<semaphore_mem>>) {add = true}
      %dma_wait3A = arith.constant 288 : i32
      %dma_wait3A_33 = arith.constant 0 : i32
      %dma_wait3A_34 = tpu.memref_slice %arg7[%dma_wait3A, %dma_wait3A_33] : memref<384x128xf32, #tpu.memory_space<vmem>> -> memref<96x128xf32, #tpu.memory_space<vmem>>
      %dma_wait3A_35 = arith.constant 0 : i32
      %dma_wait3A_36 = arith.constant 0 : i32
      %dma_wait3A_37 = tpu.memref_slice %arg8[%dma_wait3A_35, %dma_wait3A_36] : memref<2048x128xf32, #tpu.memory_space<vmem_shared>> -> memref<2048x128xf32, #tpu.memory_space<vmem_shared>>
      tpu.wait_indirect_dma semaphore(%run_scoped3A : memref<!tpu.dma_semaphore, #tpu.memory_space<semaphore_mem>>) src(%dma_wait3A_34 : memref<96x128xf32, #tpu.memory_space<vmem>>) dst(%dma_wait3A_37 : memref<2048x128xf32, #tpu.memory_space<vmem_shared>>)
      tpu.yield
    }) : () -> ()
    %barrier3A_23 = arith.constant 0 : index
    tpu.barrier barrier_id(%barrier3A_23)
    %mul3A_24 = arith.constant 128 : i32
    %mul3A_25 = arith.muli %arg1, %mul3A_24 : i32
    %mul3A_26 = arith.constant 128 : i32
    %mul3A_27 = arith.muli %arg1, %mul3A_26 : i32
    "tpu.region"() ({
      %run_scoped3A = tpu.sem_alloc : memref<!tpu.dma_semaphore, #tpu.memory_space<semaphore_mem>>
      %dma_start3A = arith.constant 0 : i32
      %dma_start3A_28 = tpu.memref_slice %arg5[%arg0, %mul3A_27, %dma_start3A] : memref<2x2048x128xf32, #tpu.memory_space<hbm>> -> memref<1x128x128xf32, #tpu.memory_space<hbm>>
      %dma_start3A_29 = tpu.memref_squeeze %dma_start3A_28 : memref<1x128x128xf32, #tpu.memory_space<hbm>> -> memref<128x128xf32, #tpu.memory_space<hbm>>
      %dma_start3A_30 = arith.constant 0 : i32
      %dma_start3A_31 = tpu.memref_slice %arg8[%mul3A_25, %dma_start3A_30] : memref<2048x128xf32, #tpu.memory_space<vmem_shared>> -> memref<128x128xf32, #tpu.memory_space<vmem_shared>>
      tpu.enqueue_dma source(%dma_start3A_31 : memref<128x128xf32, #tpu.memory_space<vmem_shared>>) target(%dma_start3A_29 : memref<128x128xf32, #tpu.memory_space<hbm>>) target_semaphore(%run_scoped3A : memref<!tpu.dma_semaphore, #tpu.memory_space<semaphore_mem>>)
      %dma_wait3A = arith.constant 0 : i32
      %dma_wait3A_32 = tpu.memref_slice %arg5[%arg0, %mul3A_27, %dma_wait3A] : memref<2x2048x128xf32, #tpu.memory_space<hbm>> -> memref<1x128x128xf32, #tpu.memory_space<hbm>>
      %dma_wait3A_33 = tpu.memref_squeeze %dma_wait3A_32 : memref<1x128x128xf32, #tpu.memory_space<hbm>> -> memref<128x128xf32, #tpu.memory_space<hbm>>
      %dma_wait3A_34 = arith.constant 0 : i32
      %dma_wait3A_35 = tpu.memref_slice %arg8[%mul3A_25, %dma_wait3A_34] : memref<2048x128xf32, #tpu.memory_space<vmem_shared>> -> memref<128x128xf32, #tpu.memory_space<vmem_shared>>
      tpu.wait_dma2 semaphore(%run_scoped3A : memref<!tpu.dma_semaphore, #tpu.memory_space<semaphore_mem>>) src(%dma_wait3A_35 : memref<128x128xf32, #tpu.memory_space<vmem_shared>>) dst(%dma_wait3A_33 : memref<128x128xf32, #tpu.memory_space<hbm>>)
      tpu.yield
    }) : () -> ()
    return
  }
}

#map = affine_map<(d0, d1) -> (0)>
#map1 = affine_map<(d0, d1) -> (0, 0)>
#map2 = affine_map<(d0, d1) -> (0, 0, 0)>
module attributes {stable_mosaic.version = 14 : i64} {
  func.func @k(%arg0: i32, %arg1: i32, %arg2: memref<320000xi32, #tpu.memory_space<hbm>>, %arg3: memref<80x128xf32, #tpu.memory_space<hbm>>, %arg4: memref<10112x128xf32, #tpu.memory_space<hbm>>, %arg5: memref<2x10112x128xf32, #tpu.memory_space<hbm>>, %arg6: memref<10000xi32, #tpu.memory_space<vmem>>, %arg7: memref<80x128xf32, #tpu.memory_space<vmem>>, %arg8: memref<10112x128xf32, #tpu.memory_space<vmem_shared>>) attributes {dimension_semantics = [#tpu.dimension_semantics<core_parallel>, #tpu.dimension_semantics<subcore_parallel>], iteration_bounds = array<i64: 2, 16>, scalar_prefetch = 0 : i64, scratch_operands = 3 : i64, tpu.core_type = #tpu.core_type<sc_vector_subcore>, window_params = [{transform_indices = #map}, {transform_indices = #map1}, {transform_indices = #map1}, {transform_indices = #map2}]} {
    %mul3A = arith.constant 2 : i32
    %mul3A_0 = arith.muli %arg1, %mul3A : i32
    %add3A = arith.addi %mul3A_0, %arg0 : i32
    %mul3A_1 = arith.constant 632 : i32
    %mul3A_2 = arith.muli %arg1, %mul3A_1 : i32
    %mul3A_3 = arith.constant 632 : i32
    %mul3A_4 = arith.muli %arg1, %mul3A_3 : i32
    "tpu.region"() ({
      %run_scoped3A = tpu.sem_alloc : memref<!tpu.dma_semaphore, #tpu.memory_space<semaphore_mem>>
      %dma_start3A = arith.constant 0 : i32
      %dma_start3A_17 = tpu.memref_slice %arg8[%mul3A_4, %dma_start3A] : memref<10112x128xf32, #tpu.memory_space<vmem_shared>> -> memref<632x128xf32, #tpu.memory_space<vmem_shared>>
      %dma_start3A_18 = arith.constant 0 : i32
      %dma_start3A_19 = tpu.memref_slice %arg4[%mul3A_2, %dma_start3A_18] : memref<10112x128xf32, #tpu.memory_space<hbm>> -> memref<632x128xf32, #tpu.memory_space<hbm>>
      tpu.enqueue_dma source(%dma_start3A_19 : memref<632x128xf32, #tpu.memory_space<hbm>>) target(%dma_start3A_17 : memref<632x128xf32, #tpu.memory_space<vmem_shared>>) target_semaphore(%run_scoped3A : memref<!tpu.dma_semaphore, #tpu.memory_space<semaphore_mem>>)
      %dma_wait3A = arith.constant 0 : i32
      %dma_wait3A_20 = tpu.memref_slice %arg8[%mul3A_4, %dma_wait3A] : memref<10112x128xf32, #tpu.memory_space<vmem_shared>> -> memref<632x128xf32, #tpu.memory_space<vmem_shared>>
      %dma_wait3A_21 = arith.constant 0 : i32
      %dma_wait3A_22 = tpu.memref_slice %arg4[%mul3A_2, %dma_wait3A_21] : memref<10112x128xf32, #tpu.memory_space<hbm>> -> memref<632x128xf32, #tpu.memory_space<hbm>>
      tpu.wait_dma2 semaphore(%run_scoped3A : memref<!tpu.dma_semaphore, #tpu.memory_space<semaphore_mem>>) src(%dma_wait3A_22 : memref<632x128xf32, #tpu.memory_space<hbm>>) dst(%dma_wait3A_20 : memref<632x128xf32, #tpu.memory_space<vmem_shared>>)
      tpu.yield
    }) : () -> ()
    %mul3A_5 = arith.constant 10000 : i32
    %mul3A_6 = arith.muli %add3A, %mul3A_5 : i32
    "tpu.region"() ({
      %run_scoped3A = tpu.sem_alloc : memref<!tpu.dma_semaphore, #tpu.memory_space<semaphore_mem>>
      %dma_start3A = tpu.memref_slice %arg2[%mul3A_6] : memref<320000xi32, #tpu.memory_space<hbm>> -> memref<10000xi32, #tpu.memory_space<hbm>>
      %dma_start3A_17 = tpu.memref_slice %arg2[%mul3A_6] : memref<320000xi32, #tpu.memory_space<hbm>> -> memref<10000xi32, #tpu.memory_space<hbm>>
      tpu.enqueue_dma source(%dma_start3A_17 : memref<10000xi32, #tpu.memory_space<hbm>>) target(%arg6 : memref<10000xi32, #tpu.memory_space<vmem>>) target_semaphore(%run_scoped3A : memref<!tpu.dma_semaphore, #tpu.memory_space<semaphore_mem>>)
      %dma_wait3A = tpu.memref_slice %arg2[%mul3A_6] : memref<320000xi32, #tpu.memory_space<hbm>> -> memref<10000xi32, #tpu.memory_space<hbm>>
      %dma_wait3A_18 = tpu.memref_slice %arg2[%mul3A_6] : memref<320000xi32, #tpu.memory_space<hbm>> -> memref<10000xi32, #tpu.memory_space<hbm>>
      tpu.wait_dma2 semaphore(%run_scoped3A : memref<!tpu.dma_semaphore, #tpu.memory_space<semaphore_mem>>) src(%dma_wait3A_18 : memref<10000xi32, #tpu.memory_space<hbm>>) dst(%arg6 : memref<10000xi32, #tpu.memory_space<vmem>>)
      tpu.yield
    }) : () -> ()
    "tpu.region"() ({
      %run_scoped3A = tpu.sem_alloc : memref<!tpu.dma_semaphore, #tpu.memory_space<semaphore_mem>>
      tpu.enqueue_dma source(%arg3 : memref<80x128xf32, #tpu.memory_space<hbm>>) target(%arg7 : memref<80x128xf32, #tpu.memory_space<vmem>>) target_semaphore(%run_scoped3A : memref<!tpu.dma_semaphore, #tpu.memory_space<semaphore_mem>>)
      tpu.wait_dma2 semaphore(%run_scoped3A : memref<!tpu.dma_semaphore, #tpu.memory_space<semaphore_mem>>) src(%arg3 : memref<80x128xf32, #tpu.memory_space<hbm>>) dst(%arg7 : memref<80x128xf32, #tpu.memory_space<vmem>>)
      tpu.yield
    }) : () -> ()
    %barrier3A = arith.constant 0 : index
    tpu.barrier barrier_id(%barrier3A)
    %scan3A = arith.constant 0 : i32
    %scan3A_7 = arith.constant 0 : i32
    %scan3A_8 = arith.constant 125 : i32
    %scan3A_9 = arith.addi %scan3A_7, %scan3A_8 : i32
    %scan3A_10 = arith.constant 1 : i32
    scf.for %scan3A_17 = %scan3A_7 to %scan3A_9 step %scan3A_10  : i32 {
      %mul3A_18 = arith.constant 80 : i32
      %mul3A_19 = arith.muli %scan3A_17, %mul3A_18 : i32
      %multiple_of3A = tpu.assume_multiple %mul3A_19, 8 : i32
      "tpu.region"() ({
        %run_scoped3A = tpu.sem_alloc : memref<!tpu.dma_semaphore, #tpu.memory_space<semaphore_mem>>
        %dma_start3A = tpu.memref_slice %arg6[%multiple_of3A] : memref<10000xi32, #tpu.memory_space<vmem>> -> memref<80xi32, #tpu.memory_space<vmem>>
        %dma_start3A_20 = arith.constant 0 : i32
        %dma_start3A_21 = arith.constant 0 : i32
        %dma_start3A_22 = tpu.memref_slice %arg8[%dma_start3A_20, %dma_start3A_21] : memref<10112x128xf32, #tpu.memory_space<vmem_shared>> -> memref<10112x128xf32, #tpu.memory_space<vmem_shared>>
        tpu.enqueue_indirect_dma source(%arg7 : memref<80x128xf32, #tpu.memory_space<vmem>>) target(%dma_start3A_22 : memref<10112x128xf32, #tpu.memory_space<vmem_shared>>) offsets(%dma_start3A : memref<80xi32, #tpu.memory_space<vmem>>) semaphore(%run_scoped3A : memref<!tpu.dma_semaphore, #tpu.memory_space<semaphore_mem>>) {add = true}
        %dma_wait3A = tpu.memref_slice %arg6[%multiple_of3A] : memref<10000xi32, #tpu.memory_space<vmem>> -> memref<80xi32, #tpu.memory_space<vmem>>
        %dma_wait3A_23 = arith.constant 0 : i32
        %dma_wait3A_24 = arith.constant 0 : i32
        %dma_wait3A_25 = tpu.memref_slice %arg8[%dma_wait3A_23, %dma_wait3A_24] : memref<10112x128xf32, #tpu.memory_space<vmem_shared>> -> memref<10112x128xf32, #tpu.memory_space<vmem_shared>>
        tpu.wait_indirect_dma semaphore(%run_scoped3A : memref<!tpu.dma_semaphore, #tpu.memory_space<semaphore_mem>>) src(%arg7 : memref<80x128xf32, #tpu.memory_space<vmem>>) dst(%dma_wait3A_25 : memref<10112x128xf32, #tpu.memory_space<vmem_shared>>)
        tpu.yield
      }) : () -> ()
    }
    %scan3A_11 = arith.constant 125 : i32
    %barrier3A_12 = arith.constant 0 : index
    tpu.barrier barrier_id(%barrier3A_12)
    %mul3A_13 = arith.constant 632 : i32
    %mul3A_14 = arith.muli %arg1, %mul3A_13 : i32
    %mul3A_15 = arith.constant 632 : i32
    %mul3A_16 = arith.muli %arg1, %mul3A_15 : i32
    "tpu.region"() ({
      %run_scoped3A = tpu.sem_alloc : memref<!tpu.dma_semaphore, #tpu.memory_space<semaphore_mem>>
      %dma_start3A = arith.constant 0 : i32
      %dma_start3A_17 = tpu.memref_slice %arg5[%arg0, %mul3A_16, %dma_start3A] : memref<2x10112x128xf32, #tpu.memory_space<hbm>> -> memref<1x632x128xf32, #tpu.memory_space<hbm>>
      %dma_start3A_18 = tpu.memref_squeeze %dma_start3A_17 : memref<1x632x128xf32, #tpu.memory_space<hbm>> -> memref<632x128xf32, #tpu.memory_space<hbm>>
      %dma_start3A_19 = arith.constant 0 : i32
      %dma_start3A_20 = tpu.memref_slice %arg8[%mul3A_14, %dma_start3A_19] : memref<10112x128xf32, #tpu.memory_space<vmem_shared>> -> memref<632x128xf32, #tpu.memory_space<vmem_shared>>
      tpu.enqueue_dma source(%dma_start3A_20 : memref<632x128xf32, #tpu.memory_space<vmem_shared>>) target(%dma_start3A_18 : memref<632x128xf32, #tpu.memory_space<hbm>>) target_semaphore(%run_scoped3A : memref<!tpu.dma_semaphore, #tpu.memory_space<semaphore_mem>>)
      %dma_wait3A = arith.constant 0 : i32
      %dma_wait3A_21 = tpu.memref_slice %arg5[%arg0, %mul3A_16, %dma_wait3A] : memref<2x10112x128xf32, #tpu.memory_space<hbm>> -> memref<1x632x128xf32, #tpu.memory_space<hbm>>
      %dma_wait3A_22 = tpu.memref_squeeze %dma_wait3A_21 : memref<1x632x128xf32, #tpu.memory_space<hbm>> -> memref<632x128xf32, #tpu.memory_space<hbm>>
      %dma_wait3A_23 = arith.constant 0 : i32
      %dma_wait3A_24 = tpu.memref_slice %arg8[%mul3A_14, %dma_wait3A_23] : memref<10112x128xf32, #tpu.memory_space<vmem_shared>> -> memref<632x128xf32, #tpu.memory_space<vmem_shared>>
      tpu.wait_dma2 semaphore(%run_scoped3A : memref<!tpu.dma_semaphore, #tpu.memory_space<semaphore_mem>>) src(%dma_wait3A_24 : memref<632x128xf32, #tpu.memory_space<vmem_shared>>) dst(%dma_wait3A_22 : memref<632x128xf32, #tpu.memory_space<hbm>>)
      tpu.yield
    }) : () -> ()
    return
  }
}

#map = affine_map<(d0, d1) -> (0)>
#map1 = affine_map<(d0, d1) -> (0, 0)>
#map2 = affine_map<(d0, d1) -> (0, 0, 0)>
module attributes {stable_mosaic.version = 14 : i64} {
  func.func @k(%arg0: i32, %arg1: i32, %arg2: memref<320000xi32, #tpu.memory_space<hbm>>, %arg3: memref<320000xi32, #tpu.memory_space<hbm>>, %arg4: memref<10112x128xf32, #tpu.memory_space<hbm>>, %arg5: memref<10112x128xf32, #tpu.memory_space<hbm>>, %arg6: memref<2x10112x128xf32, #tpu.memory_space<hbm>>, %arg7: memref<10000xi32, #tpu.memory_space<vmem>>, %arg8: memref<10000xi32, #tpu.memory_space<vmem>>, %arg9: memref<80x128xf32, #tpu.memory_space<vmem>>, %arg10: memref<80x128xf32, #tpu.memory_space<vmem>>, %arg11: memref<10112x128xf32, #tpu.memory_space<vmem_shared>>, %arg12: memref<!tpu.dma_semaphore, #tpu.memory_space<semaphore_mem>>, %arg13: memref<!tpu.dma_semaphore, #tpu.memory_space<semaphore_mem>>) attributes {dimension_semantics = [#tpu.dimension_semantics<core_parallel>, #tpu.dimension_semantics<subcore_parallel>], iteration_bounds = array<i64: 2, 16>, scalar_prefetch = 0 : i64, scratch_operands = 7 : i64, tpu.core_type = #tpu.core_type<sc_vector_subcore>, window_params = [{transform_indices = #map}, {transform_indices = #map}, {transform_indices = #map1}, {transform_indices = #map1}, {transform_indices = #map2}]} {
    %mul3A = arith.constant 2 : i32
    %mul3A_0 = arith.muli %arg1, %mul3A : i32
    %add3A = arith.addi %mul3A_0, %arg0 : i32
    %mul3A_1 = arith.constant 632 : i32
    %mul3A_2 = arith.muli %arg1, %mul3A_1 : i32
    %mul3A_3 = arith.constant 632 : i32
    %mul3A_4 = arith.muli %arg1, %mul3A_3 : i32
    "tpu.region"() ({
      %run_scoped3A = tpu.sem_alloc : memref<!tpu.dma_semaphore, #tpu.memory_space<semaphore_mem>>
      %dma_start3A_30 = arith.constant 0 : i32
      %dma_start3A_31 = tpu.memref_slice %arg11[%mul3A_4, %dma_start3A_30] : memref<10112x128xf32, #tpu.memory_space<vmem_shared>> -> memref<632x128xf32, #tpu.memory_space<vmem_shared>>
      %dma_start3A_32 = arith.constant 0 : i32
      %dma_start3A_33 = tpu.memref_slice %arg5[%mul3A_2, %dma_start3A_32] : memref<10112x128xf32, #tpu.memory_space<hbm>> -> memref<632x128xf32, #tpu.memory_space<hbm>>
      tpu.enqueue_dma source(%dma_start3A_33 : memref<632x128xf32, #tpu.memory_space<hbm>>) target(%dma_start3A_31 : memref<632x128xf32, #tpu.memory_space<vmem_shared>>) target_semaphore(%run_scoped3A : memref<!tpu.dma_semaphore, #tpu.memory_space<semaphore_mem>>)
      %dma_wait3A_34 = arith.constant 0 : i32
      %dma_wait3A_35 = tpu.memref_slice %arg11[%mul3A_4, %dma_wait3A_34] : memref<10112x128xf32, #tpu.memory_space<vmem_shared>> -> memref<632x128xf32, #tpu.memory_space<vmem_shared>>
      %dma_wait3A_36 = arith.constant 0 : i32
      %dma_wait3A_37 = tpu.memref_slice %arg5[%mul3A_2, %dma_wait3A_36] : memref<10112x128xf32, #tpu.memory_space<hbm>> -> memref<632x128xf32, #tpu.memory_space<hbm>>
      tpu.wait_dma2 semaphore(%run_scoped3A : memref<!tpu.dma_semaphore, #tpu.memory_space<semaphore_mem>>) src(%dma_wait3A_37 : memref<632x128xf32, #tpu.memory_space<hbm>>) dst(%dma_wait3A_35 : memref<632x128xf32, #tpu.memory_space<vmem_shared>>)
      tpu.yield
    }) : () -> ()
    %mul3A_5 = arith.constant 10000 : i32
    %mul3A_6 = arith.muli %add3A, %mul3A_5 : i32
    "tpu.region"() ({
      %run_scoped3A = tpu.sem_alloc : memref<!tpu.dma_semaphore, #tpu.memory_space<semaphore_mem>>
      %dma_start3A_30 = tpu.memref_slice %arg2[%mul3A_6] : memref<320000xi32, #tpu.memory_space<hbm>> -> memref<10000xi32, #tpu.memory_space<hbm>>
      %dma_start3A_31 = tpu.memref_slice %arg2[%mul3A_6] : memref<320000xi32, #tpu.memory_space<hbm>> -> memref<10000xi32, #tpu.memory_space<hbm>>
      tpu.enqueue_dma source(%dma_start3A_31 : memref<10000xi32, #tpu.memory_space<hbm>>) target(%arg7 : memref<10000xi32, #tpu.memory_space<vmem>>) target_semaphore(%run_scoped3A : memref<!tpu.dma_semaphore, #tpu.memory_space<semaphore_mem>>)
      %dma_wait3A_32 = tpu.memref_slice %arg2[%mul3A_6] : memref<320000xi32, #tpu.memory_space<hbm>> -> memref<10000xi32, #tpu.memory_space<hbm>>
      %dma_wait3A_33 = tpu.memref_slice %arg2[%mul3A_6] : memref<320000xi32, #tpu.memory_space<hbm>> -> memref<10000xi32, #tpu.memory_space<hbm>>
      tpu.wait_dma2 semaphore(%run_scoped3A : memref<!tpu.dma_semaphore, #tpu.memory_space<semaphore_mem>>) src(%dma_wait3A_33 : memref<10000xi32, #tpu.memory_space<hbm>>) dst(%arg7 : memref<10000xi32, #tpu.memory_space<vmem>>)
      tpu.yield
    }) : () -> ()
    %mul3A_7 = arith.constant 10000 : i32
    %mul3A_8 = arith.muli %add3A, %mul3A_7 : i32
    "tpu.region"() ({
      %run_scoped3A = tpu.sem_alloc : memref<!tpu.dma_semaphore, #tpu.memory_space<semaphore_mem>>
      %dma_start3A_30 = tpu.memref_slice %arg3[%mul3A_8] : memref<320000xi32, #tpu.memory_space<hbm>> -> memref<10000xi32, #tpu.memory_space<hbm>>
      %dma_start3A_31 = tpu.memref_slice %arg3[%mul3A_8] : memref<320000xi32, #tpu.memory_space<hbm>> -> memref<10000xi32, #tpu.memory_space<hbm>>
      tpu.enqueue_dma source(%dma_start3A_31 : memref<10000xi32, #tpu.memory_space<hbm>>) target(%arg8 : memref<10000xi32, #tpu.memory_space<vmem>>) target_semaphore(%run_scoped3A : memref<!tpu.dma_semaphore, #tpu.memory_space<semaphore_mem>>)
      %dma_wait3A_32 = tpu.memref_slice %arg3[%mul3A_8] : memref<320000xi32, #tpu.memory_space<hbm>> -> memref<10000xi32, #tpu.memory_space<hbm>>
      %dma_wait3A_33 = tpu.memref_slice %arg3[%mul3A_8] : memref<320000xi32, #tpu.memory_space<hbm>> -> memref<10000xi32, #tpu.memory_space<hbm>>
      tpu.wait_dma2 semaphore(%run_scoped3A : memref<!tpu.dma_semaphore, #tpu.memory_space<semaphore_mem>>) src(%dma_wait3A_33 : memref<10000xi32, #tpu.memory_space<hbm>>) dst(%arg8 : memref<10000xi32, #tpu.memory_space<vmem>>)
      tpu.yield
    }) : () -> ()
    %barrier3A = arith.constant 0 : index
    tpu.barrier barrier_id(%barrier3A)
    %multiple_of3A = arith.constant 0 : i32
    %multiple_of3A_9 = tpu.assume_multiple %multiple_of3A, 8 : i32
    %dma_start3A = tpu.memref_slice %arg7[%multiple_of3A_9] : memref<10000xi32, #tpu.memory_space<vmem>> -> memref<80xi32, #tpu.memory_space<vmem>>
    %dma_start3A_10 = arith.constant 0 : i32
    %dma_start3A_11 = arith.constant 0 : i32
    %dma_start3A_12 = tpu.memref_slice %arg4[%dma_start3A_10, %dma_start3A_11] : memref<10112x128xf32, #tpu.memory_space<hbm>> -> memref<10112x128xf32, #tpu.memory_space<hbm>>
    tpu.enqueue_indirect_dma source(%dma_start3A_12 : memref<10112x128xf32, #tpu.memory_space<hbm>>) target(%arg9 : memref<80x128xf32, #tpu.memory_space<vmem>>) offsets(%dma_start3A : memref<80xi32, #tpu.memory_space<vmem>>) semaphore(%arg12 : memref<!tpu.dma_semaphore, #tpu.memory_space<semaphore_mem>>)
    %scan3A = arith.constant 0 : i32
    %scan3A_13 = arith.constant 0 : i32
    %scan3A_14 = arith.constant 62 : i32
    %scan3A_15 = arith.addi %scan3A_13, %scan3A_14 : i32
    %scan3A_16 = arith.constant 1 : i32
    scf.for %scan3A_30 = %scan3A_13 to %scan3A_15 step %scan3A_16  : i32 {
      %mul3A_31 = arith.constant 2 : i32
      %mul3A_32 = arith.muli %mul3A_31, %scan3A_30 : i32
      %add3A_33 = arith.constant 1 : i32
      %add3A_34 = arith.addi %mul3A_32, %add3A_33 : i32
      %mul3A_35 = arith.constant 80 : i32
      %mul3A_36 = arith.muli %add3A_34, %mul3A_35 : i32
      %multiple_of3A_37 = tpu.assume_multiple %mul3A_36, 8 : i32
      %dma_start3A_38 = tpu.memref_slice %arg7[%multiple_of3A_37] : memref<10000xi32, #tpu.memory_space<vmem>> -> memref<80xi32, #tpu.memory_space<vmem>>
      %dma_start3A_39 = arith.constant 0 : i32
      %dma_start3A_40 = arith.constant 0 : i32
      %dma_start3A_41 = tpu.memref_slice %arg4[%dma_start3A_39, %dma_start3A_40] : memref<10112x128xf32, #tpu.memory_space<hbm>> -> memref<10112x128xf32, #tpu.memory_space<hbm>>
      tpu.enqueue_indirect_dma source(%dma_start3A_41 : memref<10112x128xf32, #tpu.memory_space<hbm>>) target(%arg10 : memref<80x128xf32, #tpu.memory_space<vmem>>) offsets(%dma_start3A_38 : memref<80xi32, #tpu.memory_space<vmem>>) semaphore(%arg13 : memref<!tpu.dma_semaphore, #tpu.memory_space<semaphore_mem>>)
      %mul3A_42 = arith.constant 80 : i32
      %mul3A_43 = arith.muli %mul3A_32, %mul3A_42 : i32
      %multiple_of3A_44 = tpu.assume_multiple %mul3A_43, 8 : i32
      %dma_wait3A_45 = tpu.memref_slice %arg7[%multiple_of3A_44] : memref<10000xi32, #tpu.memory_space<vmem>> -> memref<80xi32, #tpu.memory_space<vmem>>
      %dma_wait3A_46 = arith.constant 0 : i32
      %dma_wait3A_47 = arith.constant 0 : i32
      %dma_wait3A_48 = tpu.memref_slice %arg4[%dma_wait3A_46, %dma_wait3A_47] : memref<10112x128xf32, #tpu.memory_space<hbm>> -> memref<10112x128xf32, #tpu.memory_space<hbm>>
      tpu.wait_indirect_dma semaphore(%arg12 : memref<!tpu.dma_semaphore, #tpu.memory_space<semaphore_mem>>) src(%dma_wait3A_48 : memref<10112x128xf32, #tpu.memory_space<hbm>>) dst(%arg9 : memref<80x128xf32, #tpu.memory_space<vmem>>)
      %mul3A_49 = arith.constant 80 : i32
      %mul3A_50 = arith.muli %mul3A_32, %mul3A_49 : i32
      %multiple_of3A_51 = tpu.assume_multiple %mul3A_50, 8 : i32
      "tpu.region"() ({
        %run_scoped3A = tpu.sem_alloc : memref<!tpu.dma_semaphore, #tpu.memory_space<semaphore_mem>>
        %dma_start3A_75 = tpu.memref_slice %arg8[%multiple_of3A_51] : memref<10000xi32, #tpu.memory_space<vmem>> -> memref<80xi32, #tpu.memory_space<vmem>>
        %dma_start3A_76 = arith.constant 0 : i32
        %dma_start3A_77 = arith.constant 0 : i32
        %dma_start3A_78 = tpu.memref_slice %arg11[%dma_start3A_76, %dma_start3A_77] : memref<10112x128xf32, #tpu.memory_space<vmem_shared>> -> memref<10112x128xf32, #tpu.memory_space<vmem_shared>>
        tpu.enqueue_indirect_dma source(%arg9 : memref<80x128xf32, #tpu.memory_space<vmem>>) target(%dma_start3A_78 : memref<10112x128xf32, #tpu.memory_space<vmem_shared>>) offsets(%dma_start3A_75 : memref<80xi32, #tpu.memory_space<vmem>>) semaphore(%run_scoped3A : memref<!tpu.dma_semaphore, #tpu.memory_space<semaphore_mem>>) {add = true}
        %dma_wait3A_79 = tpu.memref_slice %arg8[%multiple_of3A_51] : memref<10000xi32, #tpu.memory_space<vmem>> -> memref<80xi32, #tpu.memory_space<vmem>>
        %dma_wait3A_80 = arith.constant 0 : i32
        %dma_wait3A_81 = arith.constant 0 : i32
        %dma_wait3A_82 = tpu.memref_slice %arg11[%dma_wait3A_80, %dma_wait3A_81] : memref<10112x128xf32, #tpu.memory_space<vmem_shared>> -> memref<10112x128xf32, #tpu.memory_space<vmem_shared>>
        tpu.wait_indirect_dma semaphore(%run_scoped3A : memref<!tpu.dma_semaphore, #tpu.memory_space<semaphore_mem>>) src(%arg9 : memref<80x128xf32, #tpu.memory_space<vmem>>) dst(%dma_wait3A_82 : memref<10112x128xf32, #tpu.memory_space<vmem_shared>>)
        tpu.yield
      }) : () -> ()
      %add3A_52 = arith.constant 2 : i32
      %add3A_53 = arith.addi %mul3A_32, %add3A_52 : i32
      %mul3A_54 = arith.constant 80 : i32
      %mul3A_55 = arith.muli %add3A_53, %mul3A_54 : i32
      %multiple_of3A_56 = tpu.assume_multiple %mul3A_55, 8 : i32
      %dma_start3A_57 = tpu.memref_slice %arg7[%multiple_of3A_56] : memref<10000xi32, #tpu.memory_space<vmem>> -> memref<80xi32, #tpu.memory_space<vmem>>
      %dma_start3A_58 = arith.constant 0 : i32
      %dma_start3A_59 = arith.constant 0 : i32
      %dma_start3A_60 = tpu.memref_slice %arg4[%dma_start3A_58, %dma_start3A_59] : memref<10112x128xf32, #tpu.memory_space<hbm>> -> memref<10112x128xf32, #tpu.memory_space<hbm>>
      tpu.enqueue_indirect_dma source(%dma_start3A_60 : memref<10112x128xf32, #tpu.memory_space<hbm>>) target(%arg9 : memref<80x128xf32, #tpu.memory_space<vmem>>) offsets(%dma_start3A_57 : memref<80xi32, #tpu.memory_space<vmem>>) semaphore(%arg12 : memref<!tpu.dma_semaphore, #tpu.memory_space<semaphore_mem>>)
      %add3A_61 = arith.constant 1 : i32
      %add3A_62 = arith.addi %mul3A_32, %add3A_61 : i32
      %mul3A_63 = arith.constant 80 : i32
      %mul3A_64 = arith.muli %add3A_62, %mul3A_63 : i32
      %multiple_of3A_65 = tpu.assume_multiple %mul3A_64, 8 : i32
      %dma_wait3A_66 = tpu.memref_slice %arg7[%multiple_of3A_65] : memref<10000xi32, #tpu.memory_space<vmem>> -> memref<80xi32, #tpu.memory_space<vmem>>
      %dma_wait3A_67 = arith.constant 0 : i32
      %dma_wait3A_68 = arith.constant 0 : i32
      %dma_wait3A_69 = tpu.memref_slice %arg4[%dma_wait3A_67, %dma_wait3A_68] : memref<10112x128xf32, #tpu.memory_space<hbm>> -> memref<10112x128xf32, #tpu.memory_space<hbm>>
      tpu.wait_indirect_dma semaphore(%arg13 : memref<!tpu.dma_semaphore, #tpu.memory_space<semaphore_mem>>) src(%dma_wait3A_69 : memref<10112x128xf32, #tpu.memory_space<hbm>>) dst(%arg10 : memref<80x128xf32, #tpu.memory_space<vmem>>)
      %add3A_70 = arith.constant 1 : i32
      %add3A_71 = arith.addi %mul3A_32, %add3A_70 : i32
      %mul3A_72 = arith.constant 80 : i32
      %mul3A_73 = arith.muli %add3A_71, %mul3A_72 : i32
      %multiple_of3A_74 = tpu.assume_multiple %mul3A_73, 8 : i32
      "tpu.region"() ({
        %run_scoped3A = tpu.sem_alloc : memref<!tpu.dma_semaphore, #tpu.memory_space<semaphore_mem>>
        %dma_start3A_75 = tpu.memref_slice %arg8[%multiple_of3A_74] : memref<10000xi32, #tpu.memory_space<vmem>> -> memref<80xi32, #tpu.memory_space<vmem>>
        %dma_start3A_76 = arith.constant 0 : i32
        %dma_start3A_77 = arith.constant 0 : i32
        %dma_start3A_78 = tpu.memref_slice %arg11[%dma_start3A_76, %dma_start3A_77] : memref<10112x128xf32, #tpu.memory_space<vmem_shared>> -> memref<10112x128xf32, #tpu.memory_space<vmem_shared>>
        tpu.enqueue_indirect_dma source(%arg10 : memref<80x128xf32, #tpu.memory_space<vmem>>) target(%dma_start3A_78 : memref<10112x128xf32, #tpu.memory_space<vmem_shared>>) offsets(%dma_start3A_75 : memref<80xi32, #tpu.memory_space<vmem>>) semaphore(%run_scoped3A : memref<!tpu.dma_semaphore, #tpu.memory_space<semaphore_mem>>) {add = true}
        %dma_wait3A_79 = tpu.memref_slice %arg8[%multiple_of3A_74] : memref<10000xi32, #tpu.memory_space<vmem>> -> memref<80xi32, #tpu.memory_space<vmem>>
        %dma_wait3A_80 = arith.constant 0 : i32
        %dma_wait3A_81 = arith.constant 0 : i32
        %dma_wait3A_82 = tpu.memref_slice %arg11[%dma_wait3A_80, %dma_wait3A_81] : memref<10112x128xf32, #tpu.memory_space<vmem_shared>> -> memref<10112x128xf32, #tpu.memory_space<vmem_shared>>
        tpu.wait_indirect_dma semaphore(%run_scoped3A : memref<!tpu.dma_semaphore, #tpu.memory_space<semaphore_mem>>) src(%arg10 : memref<80x128xf32, #tpu.memory_space<vmem>>) dst(%dma_wait3A_82 : memref<10112x128xf32, #tpu.memory_space<vmem_shared>>)
        tpu.yield
      }) : () -> ()
    }
    %scan3A_17 = arith.constant 62 : i32
    %multiple_of3A_18 = arith.constant 9920 : i32
    %multiple_of3A_19 = tpu.assume_multiple %multiple_of3A_18, 8 : i32
    %dma_wait3A = tpu.memref_slice %arg7[%multiple_of3A_19] : memref<10000xi32, #tpu.memory_space<vmem>> -> memref<80xi32, #tpu.memory_space<vmem>>
    %dma_wait3A_20 = arith.constant 0 : i32
    %dma_wait3A_21 = arith.constant 0 : i32
    %dma_wait3A_22 = tpu.memref_slice %arg4[%dma_wait3A_20, %dma_wait3A_21] : memref<10112x128xf32, #tpu.memory_space<hbm>> -> memref<10112x128xf32, #tpu.memory_space<hbm>>
    tpu.wait_indirect_dma semaphore(%arg12 : memref<!tpu.dma_semaphore, #tpu.memory_space<semaphore_mem>>) src(%dma_wait3A_22 : memref<10112x128xf32, #tpu.memory_space<hbm>>) dst(%arg9 : memref<80x128xf32, #tpu.memory_space<vmem>>)
    %multiple_of3A_23 = arith.constant 9920 : i32
    %multiple_of3A_24 = tpu.assume_multiple %multiple_of3A_23, 8 : i32
    "tpu.region"() ({
      %run_scoped3A = tpu.sem_alloc : memref<!tpu.dma_semaphore, #tpu.memory_space<semaphore_mem>>
      %dma_start3A_30 = tpu.memref_slice %arg8[%multiple_of3A_24] : memref<10000xi32, #tpu.memory_space<vmem>> -> memref<80xi32, #tpu.memory_space<vmem>>
      %dma_start3A_31 = arith.constant 0 : i32
      %dma_start3A_32 = arith.constant 0 : i32
      %dma_start3A_33 = tpu.memref_slice %arg11[%dma_start3A_31, %dma_start3A_32] : memref<10112x128xf32, #tpu.memory_space<vmem_shared>> -> memref<10112x128xf32, #tpu.memory_space<vmem_shared>>
      tpu.enqueue_indirect_dma source(%arg9 : memref<80x128xf32, #tpu.memory_space<vmem>>) target(%dma_start3A_33 : memref<10112x128xf32, #tpu.memory_space<vmem_shared>>) offsets(%dma_start3A_30 : memref<80xi32, #tpu.memory_space<vmem>>) semaphore(%run_scoped3A : memref<!tpu.dma_semaphore, #tpu.memory_space<semaphore_mem>>) {add = true}
      %dma_wait3A_34 = tpu.memref_slice %arg8[%multiple_of3A_24] : memref<10000xi32, #tpu.memory_space<vmem>> -> memref<80xi32, #tpu.memory_space<vmem>>
      %dma_wait3A_35 = arith.constant 0 : i32
      %dma_wait3A_36 = arith.constant 0 : i32
      %dma_wait3A_37 = tpu.memref_slice %arg11[%dma_wait3A_35, %dma_wait3A_36] : memref<10112x128xf32, #tpu.memory_space<vmem_shared>> -> memref<10112x128xf32, #tpu.memory_space<vmem_shared>>
      tpu.wait_indirect_dma semaphore(%run_scoped3A : memref<!tpu.dma_semaphore, #tpu.memory_space<semaphore_mem>>) src(%arg9 : memref<80x128xf32, #tpu.memory_space<vmem>>) dst(%dma_wait3A_37 : memref<10112x128xf32, #tpu.memory_space<vmem_shared>>)
      tpu.yield
    }) : () -> ()
    %barrier3A_25 = arith.constant 0 : index
    tpu.barrier barrier_id(%barrier3A_25)
    %mul3A_26 = arith.constant 632 : i32
    %mul3A_27 = arith.muli %arg1, %mul3A_26 : i32
    %mul3A_28 = arith.constant 632 : i32
    %mul3A_29 = arith.muli %arg1, %mul3A_28 : i32
    "tpu.region"() ({
      %run_scoped3A = tpu.sem_alloc : memref<!tpu.dma_semaphore, #tpu.memory_space<semaphore_mem>>
      %dma_start3A_30 = arith.constant 0 : i32
      %dma_start3A_31 = tpu.memref_slice %arg6[%arg0, %mul3A_29, %dma_start3A_30] : memref<2x10112x128xf32, #tpu.memory_space<hbm>> -> memref<1x632x128xf32, #tpu.memory_space<hbm>>
      %dma_start3A_32 = tpu.memref_squeeze %dma_start3A_31 : memref<1x632x128xf32, #tpu.memory_space<hbm>> -> memref<632x128xf32, #tpu.memory_space<hbm>>
      %dma_start3A_33 = arith.constant 0 : i32
      %dma_start3A_34 = tpu.memref_slice %arg11[%mul3A_27, %dma_start3A_33] : memref<10112x128xf32, #tpu.memory_space<vmem_shared>> -> memref<632x128xf32, #tpu.memory_space<vmem_shared>>
      tpu.enqueue_dma source(%dma_start3A_34 : memref<632x128xf32, #tpu.memory_space<vmem_shared>>) target(%dma_start3A_32 : memref<632x128xf32, #tpu.memory_space<hbm>>) target_semaphore(%run_scoped3A : memref<!tpu.dma_semaphore, #tpu.memory_space<semaphore_mem>>)
      %dma_wait3A_35 = arith.constant 0 : i32
      %dma_wait3A_36 = tpu.memref_slice %arg6[%arg0, %mul3A_29, %dma_wait3A_35] : memref<2x10112x128xf32, #tpu.memory_space<hbm>> -> memref<1x632x128xf32, #tpu.memory_space<hbm>>
      %dma_wait3A_37 = tpu.memref_squeeze %dma_wait3A_36 : memref<1x632x128xf32, #tpu.memory_space<hbm>> -> memref<632x128xf32, #tpu.memory_space<hbm>>
      %dma_wait3A_38 = arith.constant 0 : i32
      %dma_wait3A_39 = tpu.memref_slice %arg11[%mul3A_27, %dma_wait3A_38] : memref<10112x128xf32, #tpu.memory_space<vmem_shared>> -> memref<632x128xf32, #tpu.memory_space<vmem_shared>>
      tpu.wait_dma2 semaphore(%run_scoped3A : memref<!tpu.dma_semaphore, #tpu.memory_space<semaphore_mem>>) src(%dma_wait3A_39 : memref<632x128xf32, #tpu.memory_space<vmem_shared>>) dst(%dma_wait3A_37 : memref<632x128xf32, #tpu.memory_space<hbm>>)
      tpu.yield
    }) : () -> ()
    return
  }
}

#map = affine_map<(d0, d1) -> (0)>
#map1 = affine_map<(d0, d1) -> (0, 0)>
#map2 = affine_map<(d0, d1) -> (0, 0, 0)>
module attributes {stable_mosaic.version = 14 : i64} {
  func.func @k(%arg0: i32, %arg1: i32, %arg2: memref<320000xi32, #tpu.memory_space<hbm>>, %arg3: memref<320000xi32, #tpu.memory_space<hbm>>, %arg4: memref<10112x128xf32, #tpu.memory_space<hbm>>, %arg5: memref<10112x128xf32, #tpu.memory_space<hbm>>, %arg6: memref<2x10112x128xf32, #tpu.memory_space<hbm>>, %arg7: memref<10000xi32, #tpu.memory_space<vmem>>, %arg8: memref<10000xi32, #tpu.memory_space<vmem>>, %arg9: memref<80x128xf32, #tpu.memory_space<vmem>>, %arg10: memref<80x128xf32, #tpu.memory_space<vmem>>, %arg11: memref<10112x128xf32, #tpu.memory_space<vmem_shared>>, %arg12: memref<!tpu.dma_semaphore, #tpu.memory_space<semaphore_mem>>, %arg13: memref<!tpu.dma_semaphore, #tpu.memory_space<semaphore_mem>>) attributes {dimension_semantics = [#tpu.dimension_semantics<core_parallel>, #tpu.dimension_semantics<subcore_parallel>], iteration_bounds = array<i64: 2, 16>, scalar_prefetch = 0 : i64, scratch_operands = 7 : i64, tpu.core_type = #tpu.core_type<sc_vector_subcore>, window_params = [{transform_indices = #map}, {transform_indices = #map}, {transform_indices = #map1}, {transform_indices = #map1}, {transform_indices = #map2}]} {
    %mul3A = arith.constant 2 : i32
    %mul3A_0 = arith.muli %arg1, %mul3A : i32
    %add3A = arith.addi %mul3A_0, %arg0 : i32
    %mul3A_1 = arith.constant 632 : i32
    %mul3A_2 = arith.muli %arg1, %mul3A_1 : i32
    %mul3A_3 = arith.constant 632 : i32
    %mul3A_4 = arith.muli %arg1, %mul3A_3 : i32
    "tpu.region"() ({
      %run_scoped3A = tpu.sem_alloc : memref<!tpu.dma_semaphore, #tpu.memory_space<semaphore_mem>>
      %dma_start3A_30 = arith.constant 0 : i32
      %dma_start3A_31 = tpu.memref_slice %arg11[%mul3A_4, %dma_start3A_30] : memref<10112x128xf32, #tpu.memory_space<vmem_shared>> -> memref<632x128xf32, #tpu.memory_space<vmem_shared>>
      %dma_start3A_32 = arith.constant 0 : i32
      %dma_start3A_33 = tpu.memref_slice %arg5[%mul3A_2, %dma_start3A_32] : memref<10112x128xf32, #tpu.memory_space<hbm>> -> memref<632x128xf32, #tpu.memory_space<hbm>>
      tpu.enqueue_dma source(%dma_start3A_33 : memref<632x128xf32, #tpu.memory_space<hbm>>) target(%dma_start3A_31 : memref<632x128xf32, #tpu.memory_space<vmem_shared>>) target_semaphore(%run_scoped3A : memref<!tpu.dma_semaphore, #tpu.memory_space<semaphore_mem>>)
      %dma_wait3A_34 = arith.constant 0 : i32
      %dma_wait3A_35 = tpu.memref_slice %arg11[%mul3A_4, %dma_wait3A_34] : memref<10112x128xf32, #tpu.memory_space<vmem_shared>> -> memref<632x128xf32, #tpu.memory_space<vmem_shared>>
      %dma_wait3A_36 = arith.constant 0 : i32
      %dma_wait3A_37 = tpu.memref_slice %arg5[%mul3A_2, %dma_wait3A_36] : memref<10112x128xf32, #tpu.memory_space<hbm>> -> memref<632x128xf32, #tpu.memory_space<hbm>>
      tpu.wait_dma2 semaphore(%run_scoped3A : memref<!tpu.dma_semaphore, #tpu.memory_space<semaphore_mem>>) src(%dma_wait3A_37 : memref<632x128xf32, #tpu.memory_space<hbm>>) dst(%dma_wait3A_35 : memref<632x128xf32, #tpu.memory_space<vmem_shared>>)
      tpu.yield
    }) : () -> ()
    %mul3A_5 = arith.constant 10000 : i32
    %mul3A_6 = arith.muli %add3A, %mul3A_5 : i32
    "tpu.region"() ({
      %run_scoped3A = tpu.sem_alloc : memref<!tpu.dma_semaphore, #tpu.memory_space<semaphore_mem>>
      %dma_start3A_30 = tpu.memref_slice %arg2[%mul3A_6] : memref<320000xi32, #tpu.memory_space<hbm>> -> memref<10000xi32, #tpu.memory_space<hbm>>
      %dma_start3A_31 = tpu.memref_slice %arg2[%mul3A_6] : memref<320000xi32, #tpu.memory_space<hbm>> -> memref<10000xi32, #tpu.memory_space<hbm>>
      tpu.enqueue_dma source(%dma_start3A_31 : memref<10000xi32, #tpu.memory_space<hbm>>) target(%arg7 : memref<10000xi32, #tpu.memory_space<vmem>>) target_semaphore(%run_scoped3A : memref<!tpu.dma_semaphore, #tpu.memory_space<semaphore_mem>>)
      %dma_wait3A_32 = tpu.memref_slice %arg2[%mul3A_6] : memref<320000xi32, #tpu.memory_space<hbm>> -> memref<10000xi32, #tpu.memory_space<hbm>>
      %dma_wait3A_33 = tpu.memref_slice %arg2[%mul3A_6] : memref<320000xi32, #tpu.memory_space<hbm>> -> memref<10000xi32, #tpu.memory_space<hbm>>
      tpu.wait_dma2 semaphore(%run_scoped3A : memref<!tpu.dma_semaphore, #tpu.memory_space<semaphore_mem>>) src(%dma_wait3A_33 : memref<10000xi32, #tpu.memory_space<hbm>>) dst(%arg7 : memref<10000xi32, #tpu.memory_space<vmem>>)
      tpu.yield
    }) : () -> ()
    %mul3A_7 = arith.constant 10000 : i32
    %mul3A_8 = arith.muli %add3A, %mul3A_7 : i32
    "tpu.region"() ({
      %run_scoped3A = tpu.sem_alloc : memref<!tpu.dma_semaphore, #tpu.memory_space<semaphore_mem>>
      %dma_start3A_30 = tpu.memref_slice %arg3[%mul3A_8] : memref<320000xi32, #tpu.memory_space<hbm>> -> memref<10000xi32, #tpu.memory_space<hbm>>
      %dma_start3A_31 = tpu.memref_slice %arg3[%mul3A_8] : memref<320000xi32, #tpu.memory_space<hbm>> -> memref<10000xi32, #tpu.memory_space<hbm>>
      tpu.enqueue_dma source(%dma_start3A_31 : memref<10000xi32, #tpu.memory_space<hbm>>) target(%arg8 : memref<10000xi32, #tpu.memory_space<vmem>>) target_semaphore(%run_scoped3A : memref<!tpu.dma_semaphore, #tpu.memory_space<semaphore_mem>>)
      %dma_wait3A_32 = tpu.memref_slice %arg3[%mul3A_8] : memref<320000xi32, #tpu.memory_space<hbm>> -> memref<10000xi32, #tpu.memory_space<hbm>>
      %dma_wait3A_33 = tpu.memref_slice %arg3[%mul3A_8] : memref<320000xi32, #tpu.memory_space<hbm>> -> memref<10000xi32, #tpu.memory_space<hbm>>
      tpu.wait_dma2 semaphore(%run_scoped3A : memref<!tpu.dma_semaphore, #tpu.memory_space<semaphore_mem>>) src(%dma_wait3A_33 : memref<10000xi32, #tpu.memory_space<hbm>>) dst(%arg8 : memref<10000xi32, #tpu.memory_space<vmem>>)
      tpu.yield
    }) : () -> ()
    %barrier3A = arith.constant 0 : index
    tpu.barrier barrier_id(%barrier3A)
    %multiple_of3A = arith.constant 0 : i32
    %multiple_of3A_9 = tpu.assume_multiple %multiple_of3A, 8 : i32
    %dma_start3A = tpu.memref_slice %arg7[%multiple_of3A_9] : memref<10000xi32, #tpu.memory_space<vmem>> -> memref<80xi32, #tpu.memory_space<vmem>>
    %dma_start3A_10 = arith.constant 0 : i32
    %dma_start3A_11 = arith.constant 0 : i32
    %dma_start3A_12 = tpu.memref_slice %arg4[%dma_start3A_10, %dma_start3A_11] : memref<10112x128xf32, #tpu.memory_space<hbm>> -> memref<10112x128xf32, #tpu.memory_space<hbm>>
    tpu.enqueue_indirect_dma source(%dma_start3A_12 : memref<10112x128xf32, #tpu.memory_space<hbm>>) target(%arg9 : memref<80x128xf32, #tpu.memory_space<vmem>>) offsets(%dma_start3A : memref<80xi32, #tpu.memory_space<vmem>>) semaphore(%arg12 : memref<!tpu.dma_semaphore, #tpu.memory_space<semaphore_mem>>)
    %scan3A = arith.constant 0 : i32
    %scan3A_13 = arith.constant 0 : i32
    %scan3A_14 = arith.constant 62 : i32
    %scan3A_15 = arith.addi %scan3A_13, %scan3A_14 : i32
    %scan3A_16 = arith.constant 1 : i32
    scf.for %scan3A_30 = %scan3A_13 to %scan3A_15 step %scan3A_16  : i32 {
      %mul3A_31 = arith.constant 2 : i32
      %mul3A_32 = arith.muli %mul3A_31, %scan3A_30 : i32
      %add3A_33 = arith.constant 1 : i32
      %add3A_34 = arith.addi %mul3A_32, %add3A_33 : i32
      %mul3A_35 = arith.constant 80 : i32
      %mul3A_36 = arith.muli %add3A_34, %mul3A_35 : i32
      %multiple_of3A_37 = tpu.assume_multiple %mul3A_36, 8 : i32
      %dma_start3A_38 = tpu.memref_slice %arg7[%multiple_of3A_37] : memref<10000xi32, #tpu.memory_space<vmem>> -> memref<80xi32, #tpu.memory_space<vmem>>
      %dma_start3A_39 = arith.constant 0 : i32
      %dma_start3A_40 = arith.constant 0 : i32
      %dma_start3A_41 = tpu.memref_slice %arg4[%dma_start3A_39, %dma_start3A_40] : memref<10112x128xf32, #tpu.memory_space<hbm>> -> memref<10112x128xf32, #tpu.memory_space<hbm>>
      tpu.enqueue_indirect_dma source(%dma_start3A_41 : memref<10112x128xf32, #tpu.memory_space<hbm>>) target(%arg10 : memref<80x128xf32, #tpu.memory_space<vmem>>) offsets(%dma_start3A_38 : memref<80xi32, #tpu.memory_space<vmem>>) semaphore(%arg13 : memref<!tpu.dma_semaphore, #tpu.memory_space<semaphore_mem>>)
      %mul3A_42 = arith.constant 80 : i32
      %mul3A_43 = arith.muli %mul3A_32, %mul3A_42 : i32
      %multiple_of3A_44 = tpu.assume_multiple %mul3A_43, 8 : i32
      %dma_wait3A_45 = tpu.memref_slice %arg7[%multiple_of3A_44] : memref<10000xi32, #tpu.memory_space<vmem>> -> memref<80xi32, #tpu.memory_space<vmem>>
      %dma_wait3A_46 = arith.constant 0 : i32
      %dma_wait3A_47 = arith.constant 0 : i32
      %dma_wait3A_48 = tpu.memref_slice %arg4[%dma_wait3A_46, %dma_wait3A_47] : memref<10112x128xf32, #tpu.memory_space<hbm>> -> memref<10112x128xf32, #tpu.memory_space<hbm>>
      tpu.wait_indirect_dma semaphore(%arg12 : memref<!tpu.dma_semaphore, #tpu.memory_space<semaphore_mem>>) src(%dma_wait3A_48 : memref<10112x128xf32, #tpu.memory_space<hbm>>) dst(%arg9 : memref<80x128xf32, #tpu.memory_space<vmem>>)
      %mul3A_49 = arith.constant 80 : i32
      %mul3A_50 = arith.muli %mul3A_32, %mul3A_49 : i32
      %multiple_of3A_51 = tpu.assume_multiple %mul3A_50, 8 : i32
      "tpu.region"() ({
        %run_scoped3A = tpu.sem_alloc : memref<!tpu.dma_semaphore, #tpu.memory_space<semaphore_mem>>
        %dma_start3A_75 = tpu.memref_slice %arg8[%multiple_of3A_51] : memref<10000xi32, #tpu.memory_space<vmem>> -> memref<80xi32, #tpu.memory_space<vmem>>
        %dma_start3A_76 = arith.constant 0 : i32
        %dma_start3A_77 = arith.constant 0 : i32
        %dma_start3A_78 = tpu.memref_slice %arg11[%dma_start3A_76, %dma_start3A_77] : memref<10112x128xf32, #tpu.memory_space<vmem_shared>> -> memref<10112x128xf32, #tpu.memory_space<vmem_shared>>
        tpu.enqueue_indirect_dma source(%arg9 : memref<80x128xf32, #tpu.memory_space<vmem>>) target(%dma_start3A_78 : memref<10112x128xf32, #tpu.memory_space<vmem_shared>>) offsets(%dma_start3A_75 : memref<80xi32, #tpu.memory_space<vmem>>) semaphore(%run_scoped3A : memref<!tpu.dma_semaphore, #tpu.memory_space<semaphore_mem>>) {add = true}
        %dma_wait3A_79 = tpu.memref_slice %arg8[%multiple_of3A_51] : memref<10000xi32, #tpu.memory_space<vmem>> -> memref<80xi32, #tpu.memory_space<vmem>>
        %dma_wait3A_80 = arith.constant 0 : i32
        %dma_wait3A_81 = arith.constant 0 : i32
        %dma_wait3A_82 = tpu.memref_slice %arg11[%dma_wait3A_80, %dma_wait3A_81] : memref<10112x128xf32, #tpu.memory_space<vmem_shared>> -> memref<10112x128xf32, #tpu.memory_space<vmem_shared>>
        tpu.wait_indirect_dma semaphore(%run_scoped3A : memref<!tpu.dma_semaphore, #tpu.memory_space<semaphore_mem>>) src(%arg9 : memref<80x128xf32, #tpu.memory_space<vmem>>) dst(%dma_wait3A_82 : memref<10112x128xf32, #tpu.memory_space<vmem_shared>>)
        tpu.yield
      }) : () -> ()
      %add3A_52 = arith.constant 2 : i32
      %add3A_53 = arith.addi %mul3A_32, %add3A_52 : i32
      %mul3A_54 = arith.constant 80 : i32
      %mul3A_55 = arith.muli %add3A_53, %mul3A_54 : i32
      %multiple_of3A_56 = tpu.assume_multiple %mul3A_55, 8 : i32
      %dma_start3A_57 = tpu.memref_slice %arg7[%multiple_of3A_56] : memref<10000xi32, #tpu.memory_space<vmem>> -> memref<80xi32, #tpu.memory_space<vmem>>
      %dma_start3A_58 = arith.constant 0 : i32
      %dma_start3A_59 = arith.constant 0 : i32
      %dma_start3A_60 = tpu.memref_slice %arg4[%dma_start3A_58, %dma_start3A_59] : memref<10112x128xf32, #tpu.memory_space<hbm>> -> memref<10112x128xf32, #tpu.memory_space<hbm>>
      tpu.enqueue_indirect_dma source(%dma_start3A_60 : memref<10112x128xf32, #tpu.memory_space<hbm>>) target(%arg9 : memref<80x128xf32, #tpu.memory_space<vmem>>) offsets(%dma_start3A_57 : memref<80xi32, #tpu.memory_space<vmem>>) semaphore(%arg12 : memref<!tpu.dma_semaphore, #tpu.memory_space<semaphore_mem>>)
      %add3A_61 = arith.constant 1 : i32
      %add3A_62 = arith.addi %mul3A_32, %add3A_61 : i32
      %mul3A_63 = arith.constant 80 : i32
      %mul3A_64 = arith.muli %add3A_62, %mul3A_63 : i32
      %multiple_of3A_65 = tpu.assume_multiple %mul3A_64, 8 : i32
      %dma_wait3A_66 = tpu.memref_slice %arg7[%multiple_of3A_65] : memref<10000xi32, #tpu.memory_space<vmem>> -> memref<80xi32, #tpu.memory_space<vmem>>
      %dma_wait3A_67 = arith.constant 0 : i32
      %dma_wait3A_68 = arith.constant 0 : i32
      %dma_wait3A_69 = tpu.memref_slice %arg4[%dma_wait3A_67, %dma_wait3A_68] : memref<10112x128xf32, #tpu.memory_space<hbm>> -> memref<10112x128xf32, #tpu.memory_space<hbm>>
      tpu.wait_indirect_dma semaphore(%arg13 : memref<!tpu.dma_semaphore, #tpu.memory_space<semaphore_mem>>) src(%dma_wait3A_69 : memref<10112x128xf32, #tpu.memory_space<hbm>>) dst(%arg10 : memref<80x128xf32, #tpu.memory_space<vmem>>)
      %add3A_70 = arith.constant 1 : i32
      %add3A_71 = arith.addi %mul3A_32, %add3A_70 : i32
      %mul3A_72 = arith.constant 80 : i32
      %mul3A_73 = arith.muli %add3A_71, %mul3A_72 : i32
      %multiple_of3A_74 = tpu.assume_multiple %mul3A_73, 8 : i32
      "tpu.region"() ({
        %run_scoped3A = tpu.sem_alloc : memref<!tpu.dma_semaphore, #tpu.memory_space<semaphore_mem>>
        %dma_start3A_75 = tpu.memref_slice %arg8[%multiple_of3A_74] : memref<10000xi32, #tpu.memory_space<vmem>> -> memref<80xi32, #tpu.memory_space<vmem>>
        %dma_start3A_76 = arith.constant 0 : i32
        %dma_start3A_77 = arith.constant 0 : i32
        %dma_start3A_78 = tpu.memref_slice %arg11[%dma_start3A_76, %dma_start3A_77] : memref<10112x128xf32, #tpu.memory_space<vmem_shared>> -> memref<10112x128xf32, #tpu.memory_space<vmem_shared>>
        tpu.enqueue_indirect_dma source(%arg10 : memref<80x128xf32, #tpu.memory_space<vmem>>) target(%dma_start3A_78 : memref<10112x128xf32, #tpu.memory_space<vmem_shared>>) offsets(%dma_start3A_75 : memref<80xi32, #tpu.memory_space<vmem>>) semaphore(%run_scoped3A : memref<!tpu.dma_semaphore, #tpu.memory_space<semaphore_mem>>) {add = true}
        %dma_wait3A_79 = tpu.memref_slice %arg8[%multiple_of3A_74] : memref<10000xi32, #tpu.memory_space<vmem>> -> memref<80xi32, #tpu.memory_space<vmem>>
        %dma_wait3A_80 = arith.constant 0 : i32
        %dma_wait3A_81 = arith.constant 0 : i32
        %dma_wait3A_82 = tpu.memref_slice %arg11[%dma_wait3A_80, %dma_wait3A_81] : memref<10112x128xf32, #tpu.memory_space<vmem_shared>> -> memref<10112x128xf32, #tpu.memory_space<vmem_shared>>
        tpu.wait_indirect_dma semaphore(%run_scoped3A : memref<!tpu.dma_semaphore, #tpu.memory_space<semaphore_mem>>) src(%arg10 : memref<80x128xf32, #tpu.memory_space<vmem>>) dst(%dma_wait3A_82 : memref<10112x128xf32, #tpu.memory_space<vmem_shared>>)
        tpu.yield
      }) : () -> ()
    }
    %scan3A_17 = arith.constant 62 : i32
    %multiple_of3A_18 = arith.constant 9920 : i32
    %multiple_of3A_19 = tpu.assume_multiple %multiple_of3A_18, 8 : i32
    %dma_wait3A = tpu.memref_slice %arg7[%multiple_of3A_19] : memref<10000xi32, #tpu.memory_space<vmem>> -> memref<80xi32, #tpu.memory_space<vmem>>
    %dma_wait3A_20 = arith.constant 0 : i32
    %dma_wait3A_21 = arith.constant 0 : i32
    %dma_wait3A_22 = tpu.memref_slice %arg4[%dma_wait3A_20, %dma_wait3A_21] : memref<10112x128xf32, #tpu.memory_space<hbm>> -> memref<10112x128xf32, #tpu.memory_space<hbm>>
    tpu.wait_indirect_dma semaphore(%arg12 : memref<!tpu.dma_semaphore, #tpu.memory_space<semaphore_mem>>) src(%dma_wait3A_22 : memref<10112x128xf32, #tpu.memory_space<hbm>>) dst(%arg9 : memref<80x128xf32, #tpu.memory_space<vmem>>)
    %multiple_of3A_23 = arith.constant 9920 : i32
    %multiple_of3A_24 = tpu.assume_multiple %multiple_of3A_23, 8 : i32
    "tpu.region"() ({
      %run_scoped3A = tpu.sem_alloc : memref<!tpu.dma_semaphore, #tpu.memory_space<semaphore_mem>>
      %dma_start3A_30 = tpu.memref_slice %arg8[%multiple_of3A_24] : memref<10000xi32, #tpu.memory_space<vmem>> -> memref<80xi32, #tpu.memory_space<vmem>>
      %dma_start3A_31 = arith.constant 0 : i32
      %dma_start3A_32 = arith.constant 0 : i32
      %dma_start3A_33 = tpu.memref_slice %arg11[%dma_start3A_31, %dma_start3A_32] : memref<10112x128xf32, #tpu.memory_space<vmem_shared>> -> memref<10112x128xf32, #tpu.memory_space<vmem_shared>>
      tpu.enqueue_indirect_dma source(%arg9 : memref<80x128xf32, #tpu.memory_space<vmem>>) target(%dma_start3A_33 : memref<10112x128xf32, #tpu.memory_space<vmem_shared>>) offsets(%dma_start3A_30 : memref<80xi32, #tpu.memory_space<vmem>>) semaphore(%run_scoped3A : memref<!tpu.dma_semaphore, #tpu.memory_space<semaphore_mem>>) {add = true}
      %dma_wait3A_34 = tpu.memref_slice %arg8[%multiple_of3A_24] : memref<10000xi32, #tpu.memory_space<vmem>> -> memref<80xi32, #tpu.memory_space<vmem>>
      %dma_wait3A_35 = arith.constant 0 : i32
      %dma_wait3A_36 = arith.constant 0 : i32
      %dma_wait3A_37 = tpu.memref_slice %arg11[%dma_wait3A_35, %dma_wait3A_36] : memref<10112x128xf32, #tpu.memory_space<vmem_shared>> -> memref<10112x128xf32, #tpu.memory_space<vmem_shared>>
      tpu.wait_indirect_dma semaphore(%run_scoped3A : memref<!tpu.dma_semaphore, #tpu.memory_space<semaphore_mem>>) src(%arg9 : memref<80x128xf32, #tpu.memory_space<vmem>>) dst(%dma_wait3A_37 : memref<10112x128xf32, #tpu.memory_space<vmem_shared>>)
      tpu.yield
    }) : () -> ()
    %barrier3A_25 = arith.constant 0 : index
    tpu.barrier barrier_id(%barrier3A_25)
    %mul3A_26 = arith.constant 632 : i32
    %mul3A_27 = arith.muli %arg1, %mul3A_26 : i32
    %mul3A_28 = arith.constant 632 : i32
    %mul3A_29 = arith.muli %arg1, %mul3A_28 : i32
    "tpu.region"() ({
      %run_scoped3A = tpu.sem_alloc : memref<!tpu.dma_semaphore, #tpu.memory_space<semaphore_mem>>
      %dma_start3A_30 = arith.constant 0 : i32
      %dma_start3A_31 = tpu.memref_slice %arg6[%arg0, %mul3A_29, %dma_start3A_30] : memref<2x10112x128xf32, #tpu.memory_space<hbm>> -> memref<1x632x128xf32, #tpu.memory_space<hbm>>
      %dma_start3A_32 = tpu.memref_squeeze %dma_start3A_31 : memref<1x632x128xf32, #tpu.memory_space<hbm>> -> memref<632x128xf32, #tpu.memory_space<hbm>>
      %dma_start3A_33 = arith.constant 0 : i32
      %dma_start3A_34 = tpu.memref_slice %arg11[%mul3A_27, %dma_start3A_33] : memref<10112x128xf32, #tpu.memory_space<vmem_shared>> -> memref<632x128xf32, #tpu.memory_space<vmem_shared>>
      tpu.enqueue_dma source(%dma_start3A_34 : memref<632x128xf32, #tpu.memory_space<vmem_shared>>) target(%dma_start3A_32 : memref<632x128xf32, #tpu.memory_space<hbm>>) target_semaphore(%run_scoped3A : memref<!tpu.dma_semaphore, #tpu.memory_space<semaphore_mem>>)
      %dma_wait3A_35 = arith.constant 0 : i32
      %dma_wait3A_36 = tpu.memref_slice %arg6[%arg0, %mul3A_29, %dma_wait3A_35] : memref<2x10112x128xf32, #tpu.memory_space<hbm>> -> memref<1x632x128xf32, #tpu.memory_space<hbm>>
      %dma_wait3A_37 = tpu.memref_squeeze %dma_wait3A_36 : memref<1x632x128xf32, #tpu.memory_space<hbm>> -> memref<632x128xf32, #tpu.memory_space<hbm>>
      %dma_wait3A_38 = arith.constant 0 : i32
      %dma_wait3A_39 = tpu.memref_slice %arg11[%mul3A_27, %dma_wait3A_38] : memref<10112x128xf32, #tpu.memory_space<vmem_shared>> -> memref<632x128xf32, #tpu.memory_space<vmem_shared>>
      tpu.wait_dma2 semaphore(%run_scoped3A : memref<!tpu.dma_semaphore, #tpu.memory_space<semaphore_mem>>) src(%dma_wait3A_39 : memref<632x128xf32, #tpu.memory_space<vmem_shared>>) dst(%dma_wait3A_37 : memref<632x128xf32, #tpu.memory_space<hbm>>)
      tpu.yield
    }) : () -> ()
    return
  }
}

module attributes {stable_mosaic.version = 14 : i64} {
  func.func @_tc2_body(%arg0: memref<10112x128xf32, #tpu.memory_space<vmem>>, %arg1: memref<2x10112x128xf32, #tpu.memory_space<vmem>>, %arg2: memref<2x10112x128xf32, #tpu.memory_space<vmem>>, %arg3: memref<1x64xf32, #tpu.memory_space<vmem>>, %arg4: memref<1x64xf32, #tpu.memory_space<vmem>>, %arg5: memref<1x64xf32, #tpu.memory_space<vmem>>, %arg6: memref<1x64xf32, #tpu.memory_space<vmem>>, %arg7: memref<64x32xf32, #tpu.memory_space<vmem>>, %arg8: memref<10112x128xf32, #tpu.memory_space<vmem>>) attributes {dimension_semantics = [], scalar_prefetch = 0 : i64, scratch_operands = 0 : i64, tpu.core_type = #tpu.core_type<tc>} {
    %get3A = arith.constant 0 : index
    %get3A_0 = arith.constant 0 : index
    %get3A_1 = arith.constant 0 : index
    %get3A_2 = vector.load %arg2[%get3A, %get3A_0, %get3A_1] : memref<2x10112x128xf32, #tpu.memory_space<vmem>>, vector<1x10000x1xf32>
    %get3A_3 = vector.shape_cast %get3A_2 : vector<1x10000x1xf32> to vector<10000xf32>
    %get3A_4 = arith.constant 1 : index
    %get3A_5 = arith.constant 0 : index
    %get3A_6 = arith.constant 0 : index
    %get3A_7 = vector.load %arg2[%get3A_4, %get3A_5, %get3A_6] : memref<2x10112x128xf32, #tpu.memory_space<vmem>>, vector<1x10000x1xf32>
    %get3A_8 = vector.shape_cast %get3A_7 : vector<1x10000x1xf32> to vector<10000xf32>
    %add3A = arith.addf %get3A_3, %get3A_8 : vector<10000xf32>
    %add3A_9 = arith.constant 1.000000e+00 : f32
    %add3A_10 = vector.broadcast %add3A_9 : f32 to vector<10000xf32>
    %add3A_11 = arith.addf %add3A, %add3A_10 : vector<10000xf32>
    %rsqrt3A = math.rsqrt %add3A_11 : vector<10000xf32>
    %get3A_12 = arith.constant 0 : index
    %get3A_13 = arith.constant 0 : index
    %get3A_14 = arith.constant 0 : index
    %get3A_15 = vector.load %arg1[%get3A_12, %get3A_13, %get3A_14] : memref<2x10112x128xf32, #tpu.memory_space<vmem>>, vector<1x10000x64xf32>
    %get3A_16 = vector.shape_cast %get3A_15 : vector<1x10000x64xf32> to vector<10000x64xf32>
    %get3A_17 = arith.constant 1 : index
    %get3A_18 = arith.constant 0 : index
    %get3A_19 = arith.constant 0 : index
    %get3A_20 = vector.load %arg1[%get3A_17, %get3A_18, %get3A_19] : memref<2x10112x128xf32, #tpu.memory_space<vmem>>, vector<1x10000x64xf32>
    %get3A_21 = vector.shape_cast %get3A_20 : vector<1x10000x64xf32> to vector<10000x64xf32>
    %add3A_22 = arith.addf %get3A_16, %get3A_21 : vector<10000x64xf32>
    %get3A_23 = arith.constant 0 : index
    %get3A_24 = arith.constant 0 : index
    %get3A_25 = vector.load %arg0[%get3A_23, %get3A_24] : memref<10112x128xf32, #tpu.memory_space<vmem>>, vector<10000x64xf32>
    %add3A_26 = arith.addf %add3A_22, %get3A_25 : vector<10000x64xf32>
    %broadcast_in_dim3A = vector.shape_cast %rsqrt3A : vector<10000xf32> to vector<10000x1xf32>
    %mul3A = vector.broadcast %broadcast_in_dim3A : vector<10000x1xf32> to vector<10000x64xf32>
    %mul3A_27 = arith.mulf %mul3A, %add3A_26 : vector<10000x64xf32>
    %get3A_28 = arith.constant 0 : index
    %get3A_29 = arith.constant 0 : index
    %get3A_30 = vector.load %arg3[%get3A_28, %get3A_29] : memref<1x64xf32, #tpu.memory_space<vmem>>, vector<1x64xf32>
    %add3A_31 = vector.broadcast %get3A_30 : vector<1x64xf32> to vector<10000x64xf32>
    %add3A_32 = arith.addf %mul3A_27, %add3A_31 : vector<10000x64xf32>
    %get3A_33 = arith.constant 0 : index
    %get3A_34 = arith.constant 0 : index
    %get3A_35 = vector.load %arg4[%get3A_33, %get3A_34] : memref<1x64xf32, #tpu.memory_space<vmem>>, vector<1x64xf32>
    %get3A_36 = arith.constant 0 : index
    %get3A_37 = arith.constant 0 : index
    %get3A_38 = vector.load %arg5[%get3A_36, %get3A_37] : memref<1x64xf32, #tpu.memory_space<vmem>>, vector<1x64xf32>
    %get3A_39 = arith.constant 0 : index
    %get3A_40 = arith.constant 0 : index
    %get3A_41 = vector.load %arg6[%get3A_39, %get3A_40] : memref<1x64xf32, #tpu.memory_space<vmem>>, vector<1x64xf32>
    %reduce_sum3A = arith.constant dense<0.000000e+00> : vector<64xf32>
    %reduce_sum3A_42 = vector.multi_reduction <add>, %add3A_32, %reduce_sum3A [0] : vector<10000x64xf32> to vector<64xf32>
    %broadcast_in_dim3A_43 = vector.shape_cast %reduce_sum3A_42 : vector<64xf32> to vector<1x64xf32>
    %div3A = arith.constant 1.000000e+04 : f32
    %div3A_44 = vector.broadcast %div3A : f32 to vector<1x64xf32>
    %div3A_45 = arith.divf %broadcast_in_dim3A_43, %div3A_44 : vector<1x64xf32>
    %mul3A_46 = arith.mulf %get3A_41, %div3A_45 : vector<1x64xf32>
    %sub3A = vector.broadcast %mul3A_46 : vector<1x64xf32> to vector<10000x64xf32>
    %sub3A_47 = arith.subf %add3A_32, %sub3A : vector<10000x64xf32>
    %mul3A_48 = arith.mulf %sub3A_47, %sub3A_47 : vector<10000x64xf32>
    %reduce_sum3A_49 = arith.constant dense<0.000000e+00> : vector<64xf32>
    %reduce_sum3A_50 = vector.multi_reduction <add>, %mul3A_48, %reduce_sum3A_49 [0] : vector<10000x64xf32> to vector<64xf32>
    %broadcast_in_dim3A_51 = vector.shape_cast %reduce_sum3A_50 : vector<64xf32> to vector<1x64xf32>
    %div3A_52 = arith.constant 1.000000e+04 : f32
    %div3A_53 = vector.broadcast %div3A_52 : f32 to vector<1x64xf32>
    %div3A_54 = arith.divf %broadcast_in_dim3A_51, %div3A_53 : vector<1x64xf32>
    %mul3A_55 = vector.broadcast %get3A_35 : vector<1x64xf32> to vector<10000x64xf32>
    %mul3A_56 = arith.mulf %mul3A_55, %sub3A_47 : vector<10000x64xf32>
    %add3A_57 = arith.constant 9.99999974E-6 : f32
    %add3A_58 = vector.broadcast %add3A_57 : f32 to vector<1x64xf32>
    %add3A_59 = arith.addf %div3A_54, %add3A_58 : vector<1x64xf32>
    %sqrt3A = math.sqrt %add3A_59 : vector<1x64xf32>
    %div3A_60 = vector.broadcast %sqrt3A : vector<1x64xf32> to vector<10000x64xf32>
    %div3A_61 = arith.divf %mul3A_56, %div3A_60 : vector<10000x64xf32>
    %add3A_62 = vector.broadcast %get3A_38 : vector<1x64xf32> to vector<10000x64xf32>
    %add3A_63 = arith.addf %div3A_61, %add3A_62 : vector<10000x64xf32>
    %max3A = arith.constant 0.000000e+00 : f32
    %max3A_64 = vector.broadcast %max3A : f32 to vector<10000x64xf32>
    %max3A_65 = arith.maximumf %add3A_63, %max3A_64 : vector<10000x64xf32>
    %get3A_66 = arith.constant 0 : index
    %get3A_67 = arith.constant 0 : index
    %get3A_68 = vector.load %arg7[%get3A_66, %get3A_67] : memref<64x32xf32, #tpu.memory_space<vmem>>, vector<64x32xf32>
    %dot_general3A = arith.constant dense<0.000000e+00> : vector<10000x32xf32>
    %dot_general3A_69 = tpu.matmul %max3A_65, %get3A_68, %dot_general3A {dimension_numbers = #tpu.dot_dimension_numbers<[1], [0], [0], [1], [0, 0, 1, 1], [], []>, transpose_lhs_hint = false} : vector<10000x64xf32>, vector<64x32xf32>, vector<10000x32xf32> -> vector<10000x32xf32>
    %broadcast_in_dim3A_70 = vector.shape_cast %rsqrt3A : vector<10000xf32> to vector<10000x1xf32>
    %mul3A_71 = vector.broadcast %broadcast_in_dim3A_70 : vector<10000x1xf32> to vector<10000x32xf32>
    %mul3A_72 = arith.mulf %dot_general3A_69, %mul3A_71 : vector<10000x32xf32>
    %jit3A = arith.constant 0 : i32
    %convert_element_type3A = arith.sitofp %jit3A : i32 to f32
    %pad3A = vector.broadcast %convert_element_type3A : f32 to vector<112x32xf32>
    %pad3A_73 = tpu.concatenate %mul3A_72, %pad3A in 0 : vector<10000x32xf32>, vector<112x32xf32> -> vector<10112x32xf32>
    %pad3A_74 = vector.broadcast %convert_element_type3A : f32 to vector<10112x96xf32>
    %pad3A_75 = tpu.concatenate %pad3A_73, %pad3A_74 in 1 : vector<10112x32xf32>, vector<10112x96xf32> -> vector<10112x128xf32>
    %swap3A = arith.constant 0 : index
    %swap3A_76 = arith.constant 0 : index
    %swap3A_77 = vector.load %arg8[%swap3A, %swap3A_76] : memref<10112x128xf32, #tpu.memory_space<vmem>>, vector<10112x128xf32>
    tpu.vector_store %arg8[%swap3A, %swap3A_76], %pad3A_75 {strides = array<i32>} : memref<10112x128xf32, #tpu.memory_space<vmem>>, vector<10112x128xf32>,
    return
  }
}

module attributes {stable_mosaic.version = 14 : i64} {
  func.func @_tc1_body(%arg0: memref<10000x128xf32, #tpu.memory_space<vmem>>, %arg1: memref<128x64xf32, #tpu.memory_space<vmem>>, %arg2: memref<1x64xf32, #tpu.memory_space<vmem>>, %arg3: memref<1x64xf32, #tpu.memory_space<vmem>>, %arg4: memref<1x64xf32, #tpu.memory_space<vmem>>, %arg5: memref<1x64xf32, #tpu.memory_space<vmem>>, %arg6: memref<64x64xf32, #tpu.memory_space<vmem>>, %arg7: memref<2x10112x128xf32, #tpu.memory_space<vmem>>, %arg8: memref<10112x128xf32, #tpu.memory_space<vmem>>) attributes {dimension_semantics = [], scalar_prefetch = 0 : i64, scratch_operands = 0 : i64, tpu.core_type = #tpu.core_type<tc>} {
    %get3A = arith.constant 0 : index
    %get3A_0 = arith.constant 0 : index
    %get3A_1 = vector.load %arg0[%get3A, %get3A_0] : memref<10000x128xf32, #tpu.memory_space<vmem>>, vector<10000x128xf32>
    %get3A_2 = arith.constant 0 : index
    %get3A_3 = arith.constant 0 : index
    %get3A_4 = vector.load %arg1[%get3A_2, %get3A_3] : memref<128x64xf32, #tpu.memory_space<vmem>>, vector<128x64xf32>
    %dot_general3A = arith.constant dense<0.000000e+00> : vector<10000x64xf32>
    %dot_general3A_5 = tpu.matmul %get3A_1, %get3A_4, %dot_general3A {dimension_numbers = #tpu.dot_dimension_numbers<[1], [0], [0], [1], [0, 0, 1, 1], [], []>, transpose_lhs_hint = false} : vector<10000x128xf32>, vector<128x64xf32>, vector<10000x64xf32> -> vector<10000x64xf32>
    %get3A_6 = arith.constant 0 : index
    %get3A_7 = arith.constant 0 : index
    %get3A_8 = vector.load %arg2[%get3A_6, %get3A_7] : memref<1x64xf32, #tpu.memory_space<vmem>>, vector<1x64xf32>
    %add3A = vector.broadcast %get3A_8 : vector<1x64xf32> to vector<10000x64xf32>
    %add3A_9 = arith.addf %dot_general3A_5, %add3A : vector<10000x64xf32>
    %get3A_10 = arith.constant 0 : index
    %get3A_11 = arith.constant 0 : index
    %get3A_12 = vector.load %arg3[%get3A_10, %get3A_11] : memref<1x64xf32, #tpu.memory_space<vmem>>, vector<1x64xf32>
    %get3A_13 = arith.constant 0 : index
    %get3A_14 = arith.constant 0 : index
    %get3A_15 = vector.load %arg4[%get3A_13, %get3A_14] : memref<1x64xf32, #tpu.memory_space<vmem>>, vector<1x64xf32>
    %get3A_16 = arith.constant 0 : index
    %get3A_17 = arith.constant 0 : index
    %get3A_18 = vector.load %arg5[%get3A_16, %get3A_17] : memref<1x64xf32, #tpu.memory_space<vmem>>, vector<1x64xf32>
    %reduce_sum3A = arith.constant dense<0.000000e+00> : vector<64xf32>
    %reduce_sum3A_19 = vector.multi_reduction <add>, %add3A_9, %reduce_sum3A [0] : vector<10000x64xf32> to vector<64xf32>
    %broadcast_in_dim3A = vector.shape_cast %reduce_sum3A_19 : vector<64xf32> to vector<1x64xf32>
    %div3A = arith.constant 1.000000e+04 : f32
    %div3A_20 = vector.broadcast %div3A : f32 to vector<1x64xf32>
    %div3A_21 = arith.divf %broadcast_in_dim3A, %div3A_20 : vector<1x64xf32>
    %mul3A = arith.mulf %get3A_18, %div3A_21 : vector<1x64xf32>
    %sub3A = vector.broadcast %mul3A : vector<1x64xf32> to vector<10000x64xf32>
    %sub3A_22 = arith.subf %add3A_9, %sub3A : vector<10000x64xf32>
    %mul3A_23 = arith.mulf %sub3A_22, %sub3A_22 : vector<10000x64xf32>
    %reduce_sum3A_24 = arith.constant dense<0.000000e+00> : vector<64xf32>
    %reduce_sum3A_25 = vector.multi_reduction <add>, %mul3A_23, %reduce_sum3A_24 [0] : vector<10000x64xf32> to vector<64xf32>
    %broadcast_in_dim3A_26 = vector.shape_cast %reduce_sum3A_25 : vector<64xf32> to vector<1x64xf32>
    %div3A_27 = arith.constant 1.000000e+04 : f32
    %div3A_28 = vector.broadcast %div3A_27 : f32 to vector<1x64xf32>
    %div3A_29 = arith.divf %broadcast_in_dim3A_26, %div3A_28 : vector<1x64xf32>
    %mul3A_30 = vector.broadcast %get3A_12 : vector<1x64xf32> to vector<10000x64xf32>
    %mul3A_31 = arith.mulf %mul3A_30, %sub3A_22 : vector<10000x64xf32>
    %add3A_32 = arith.constant 9.99999974E-6 : f32
    %add3A_33 = vector.broadcast %add3A_32 : f32 to vector<1x64xf32>
    %add3A_34 = arith.addf %div3A_29, %add3A_33 : vector<1x64xf32>
    %sqrt3A = math.sqrt %add3A_34 : vector<1x64xf32>
    %div3A_35 = vector.broadcast %sqrt3A : vector<1x64xf32> to vector<10000x64xf32>
    %div3A_36 = arith.divf %mul3A_31, %div3A_35 : vector<10000x64xf32>
    %add3A_37 = vector.broadcast %get3A_15 : vector<1x64xf32> to vector<10000x64xf32>
    %add3A_38 = arith.addf %div3A_36, %add3A_37 : vector<10000x64xf32>
    %max3A = arith.constant 0.000000e+00 : f32
    %max3A_39 = vector.broadcast %max3A : f32 to vector<10000x64xf32>
    %max3A_40 = arith.maximumf %add3A_38, %max3A_39 : vector<10000x64xf32>
    %get3A_41 = arith.constant 0 : index
    %get3A_42 = arith.constant 0 : index
    %get3A_43 = arith.constant 0 : index
    %get3A_44 = vector.load %arg7[%get3A_41, %get3A_42, %get3A_43] : memref<2x10112x128xf32, #tpu.memory_space<vmem>>, vector<1x10000x1xf32>
    %get3A_45 = vector.shape_cast %get3A_44 : vector<1x10000x1xf32> to vector<10000xf32>
    %get3A_46 = arith.constant 1 : index
    %get3A_47 = arith.constant 0 : index
    %get3A_48 = arith.constant 0 : index
    %get3A_49 = vector.load %arg7[%get3A_46, %get3A_47, %get3A_48] : memref<2x10112x128xf32, #tpu.memory_space<vmem>>, vector<1x10000x1xf32>
    %get3A_50 = vector.shape_cast %get3A_49 : vector<1x10000x1xf32> to vector<10000xf32>
    %add3A_51 = arith.addf %get3A_45, %get3A_50 : vector<10000xf32>
    %add3A_52 = arith.constant 1.000000e+00 : f32
    %add3A_53 = vector.broadcast %add3A_52 : f32 to vector<10000xf32>
    %add3A_54 = arith.addf %add3A_51, %add3A_53 : vector<10000xf32>
    %rsqrt3A = math.rsqrt %add3A_54 : vector<10000xf32>
    %get3A_55 = arith.constant 0 : index
    %get3A_56 = arith.constant 0 : index
    %get3A_57 = vector.load %arg6[%get3A_55, %get3A_56] : memref<64x64xf32, #tpu.memory_space<vmem>>, vector<64x64xf32>
    %dot_general3A_58 = arith.constant dense<0.000000e+00> : vector<10000x64xf32>
    %dot_general3A_59 = tpu.matmul %max3A_40, %get3A_57, %dot_general3A_58 {dimension_numbers = #tpu.dot_dimension_numbers<[1], [0], [0], [1], [0, 0, 1, 1], [], []>, transpose_lhs_hint = false} : vector<10000x64xf32>, vector<64x64xf32>, vector<10000x64xf32> -> vector<10000x64xf32>
    %broadcast_in_dim3A_60 = vector.shape_cast %rsqrt3A : vector<10000xf32> to vector<10000x1xf32>
    %mul3A_61 = vector.broadcast %broadcast_in_dim3A_60 : vector<10000x1xf32> to vector<10000x64xf32>
    %mul3A_62 = arith.mulf %dot_general3A_59, %mul3A_61 : vector<10000x64xf32>
    %jit3A = arith.constant 0 : i32
    %convert_element_type3A = arith.sitofp %jit3A : i32 to f32
    %pad3A = vector.broadcast %convert_element_type3A : f32 to vector<112x64xf32>
    %pad3A_63 = tpu.concatenate %mul3A_62, %pad3A in 0 : vector<10000x64xf32>, vector<112x64xf32> -> vector<10112x64xf32>
    %pad3A_64 = vector.broadcast %convert_element_type3A : f32 to vector<10112x64xf32>
    %pad3A_65 = tpu.concatenate %pad3A_63, %pad3A_64 in 1 : vector<10112x64xf32>, vector<10112x64xf32> -> vector<10112x128xf32>
    %swap3A = arith.constant 0 : index
    %swap3A_66 = arith.constant 0 : index
    %swap3A_67 = vector.load %arg8[%swap3A, %swap3A_66] : memref<10112x128xf32, #tpu.memory_space<vmem>>, vector<10112x128xf32>
    tpu.vector_store %arg8[%swap3A, %swap3A_66], %pad3A_65 {strides = array<i32>} : memref<10112x128xf32, #tpu.memory_space<vmem>>, vector<10112x128xf32>,
    return
  }
}

module attributes {stable_mosaic.version = 14 : i64} {
  func.func @_tc3_body(%arg0: memref<10112x128xf32, #tpu.memory_space<vmem>>, %arg1: memref<2x10112x128xf32, #tpu.memory_space<vmem>>, %arg2: memref<2x10112x128xf32, #tpu.memory_space<vmem>>, %arg3: memref<1x32xf32, #tpu.memory_space<vmem>>, %arg4: memref<1x32xf32, #tpu.memory_space<vmem>>, %arg5: memref<1x32xf32, #tpu.memory_space<vmem>>, %arg6: memref<1x32xf32, #tpu.memory_space<vmem>>, %arg7: memref<32x32xf32, #tpu.memory_space<vmem>>, %arg8: memref<1x32xf32, #tpu.memory_space<vmem>>, %arg9: memref<32x1xf32, #tpu.memory_space<vmem>>, %arg10: memref<1x1xf32, #tpu.memory_space<vmem>>, %arg11: memref<12288x128xf32, #tpu.memory_space<vmem>>) attributes {dimension_semantics = [], scalar_prefetch = 0 : i64, scratch_operands = 0 : i64, tpu.core_type = #tpu.core_type<tc>} {
    %get3A = arith.constant 0 : index
    %get3A_0 = arith.constant 0 : index
    %get3A_1 = arith.constant 0 : index
    %get3A_2 = vector.load %arg2[%get3A, %get3A_0, %get3A_1] : memref<2x10112x128xf32, #tpu.memory_space<vmem>>, vector<1x10000x1xf32>
    %get3A_3 = vector.shape_cast %get3A_2 : vector<1x10000x1xf32> to vector<10000xf32>
    %get3A_4 = arith.constant 1 : index
    %get3A_5 = arith.constant 0 : index
    %get3A_6 = arith.constant 0 : index
    %get3A_7 = vector.load %arg2[%get3A_4, %get3A_5, %get3A_6] : memref<2x10112x128xf32, #tpu.memory_space<vmem>>, vector<1x10000x1xf32>
    %get3A_8 = vector.shape_cast %get3A_7 : vector<1x10000x1xf32> to vector<10000xf32>
    %add3A = arith.addf %get3A_3, %get3A_8 : vector<10000xf32>
    %add3A_9 = arith.constant 1.000000e+00 : f32
    %add3A_10 = vector.broadcast %add3A_9 : f32 to vector<10000xf32>
    %add3A_11 = arith.addf %add3A, %add3A_10 : vector<10000xf32>
    %rsqrt3A = math.rsqrt %add3A_11 : vector<10000xf32>
    %get3A_12 = arith.constant 0 : index
    %get3A_13 = arith.constant 0 : index
    %get3A_14 = arith.constant 0 : index
    %get3A_15 = vector.load %arg1[%get3A_12, %get3A_13, %get3A_14] : memref<2x10112x128xf32, #tpu.memory_space<vmem>>, vector<1x10000x32xf32>
    %get3A_16 = vector.shape_cast %get3A_15 : vector<1x10000x32xf32> to vector<10000x32xf32>
    %get3A_17 = arith.constant 1 : index
    %get3A_18 = arith.constant 0 : index
    %get3A_19 = arith.constant 0 : index
    %get3A_20 = vector.load %arg1[%get3A_17, %get3A_18, %get3A_19] : memref<2x10112x128xf32, #tpu.memory_space<vmem>>, vector<1x10000x32xf32>
    %get3A_21 = vector.shape_cast %get3A_20 : vector<1x10000x32xf32> to vector<10000x32xf32>
    %add3A_22 = arith.addf %get3A_16, %get3A_21 : vector<10000x32xf32>
    %get3A_23 = arith.constant 0 : index
    %get3A_24 = arith.constant 0 : index
    %get3A_25 = vector.load %arg0[%get3A_23, %get3A_24] : memref<10112x128xf32, #tpu.memory_space<vmem>>, vector<10000x32xf32>
    %add3A_26 = arith.addf %add3A_22, %get3A_25 : vector<10000x32xf32>
    %broadcast_in_dim3A = vector.shape_cast %rsqrt3A : vector<10000xf32> to vector<10000x1xf32>
    %mul3A = vector.broadcast %broadcast_in_dim3A : vector<10000x1xf32> to vector<10000x32xf32>
    %mul3A_27 = arith.mulf %mul3A, %add3A_26 : vector<10000x32xf32>
    %get3A_28 = arith.constant 0 : index
    %get3A_29 = arith.constant 0 : index
    %get3A_30 = vector.load %arg3[%get3A_28, %get3A_29] : memref<1x32xf32, #tpu.memory_space<vmem>>, vector<1x32xf32>
    %add3A_31 = vector.broadcast %get3A_30 : vector<1x32xf32> to vector<10000x32xf32>
    %add3A_32 = arith.addf %mul3A_27, %add3A_31 : vector<10000x32xf32>
    %get3A_33 = arith.constant 0 : index
    %get3A_34 = arith.constant 0 : index
    %get3A_35 = vector.load %arg4[%get3A_33, %get3A_34] : memref<1x32xf32, #tpu.memory_space<vmem>>, vector<1x32xf32>
    %get3A_36 = arith.constant 0 : index
    %get3A_37 = arith.constant 0 : index
    %get3A_38 = vector.load %arg5[%get3A_36, %get3A_37] : memref<1x32xf32, #tpu.memory_space<vmem>>, vector<1x32xf32>
    %get3A_39 = arith.constant 0 : index
    %get3A_40 = arith.constant 0 : index
    %get3A_41 = vector.load %arg6[%get3A_39, %get3A_40] : memref<1x32xf32, #tpu.memory_space<vmem>>, vector<1x32xf32>
    %reduce_sum3A = arith.constant dense<0.000000e+00> : vector<32xf32>
    %reduce_sum3A_42 = vector.multi_reduction <add>, %add3A_32, %reduce_sum3A [0] : vector<10000x32xf32> to vector<32xf32>
    %broadcast_in_dim3A_43 = vector.shape_cast %reduce_sum3A_42 : vector<32xf32> to vector<1x32xf32>
    %div3A = arith.constant 1.000000e+04 : f32
    %div3A_44 = vector.broadcast %div3A : f32 to vector<1x32xf32>
    %div3A_45 = arith.divf %broadcast_in_dim3A_43, %div3A_44 : vector<1x32xf32>
    %mul3A_46 = arith.mulf %get3A_41, %div3A_45 : vector<1x32xf32>
    %sub3A = vector.broadcast %mul3A_46 : vector<1x32xf32> to vector<10000x32xf32>
    %sub3A_47 = arith.subf %add3A_32, %sub3A : vector<10000x32xf32>
    %mul3A_48 = arith.mulf %sub3A_47, %sub3A_47 : vector<10000x32xf32>
    %reduce_sum3A_49 = arith.constant dense<0.000000e+00> : vector<32xf32>
    %reduce_sum3A_50 = vector.multi_reduction <add>, %mul3A_48, %reduce_sum3A_49 [0] : vector<10000x32xf32> to vector<32xf32>
    %broadcast_in_dim3A_51 = vector.shape_cast %reduce_sum3A_50 : vector<32xf32> to vector<1x32xf32>
    %div3A_52 = arith.constant 1.000000e+04 : f32
    %div3A_53 = vector.broadcast %div3A_52 : f32 to vector<1x32xf32>
    %div3A_54 = arith.divf %broadcast_in_dim3A_51, %div3A_53 : vector<1x32xf32>
    %mul3A_55 = vector.broadcast %get3A_35 : vector<1x32xf32> to vector<10000x32xf32>
    %mul3A_56 = arith.mulf %mul3A_55, %sub3A_47 : vector<10000x32xf32>
    %add3A_57 = arith.constant 9.99999974E-6 : f32
    %add3A_58 = vector.broadcast %add3A_57 : f32 to vector<1x32xf32>
    %add3A_59 = arith.addf %div3A_54, %add3A_58 : vector<1x32xf32>
    %sqrt3A = math.sqrt %add3A_59 : vector<1x32xf32>
    %div3A_60 = vector.broadcast %sqrt3A : vector<1x32xf32> to vector<10000x32xf32>
    %div3A_61 = arith.divf %mul3A_56, %div3A_60 : vector<10000x32xf32>
    %add3A_62 = vector.broadcast %get3A_38 : vector<1x32xf32> to vector<10000x32xf32>
    %add3A_63 = arith.addf %div3A_61, %add3A_62 : vector<10000x32xf32>
    %max3A = arith.constant 0.000000e+00 : f32
    %max3A_64 = vector.broadcast %max3A : f32 to vector<10000x32xf32>
    %max3A_65 = arith.maximumf %add3A_63, %max3A_64 : vector<10000x32xf32>
    %get3A_66 = arith.constant 0 : index
    %get3A_67 = arith.constant 0 : index
    %get3A_68 = vector.load %arg7[%get3A_66, %get3A_67] : memref<32x32xf32, #tpu.memory_space<vmem>>, vector<32x32xf32>
    %dot_general3A = arith.constant dense<0.000000e+00> : vector<10000x32xf32>
    %dot_general3A_69 = tpu.matmul %max3A_65, %get3A_68, %dot_general3A {dimension_numbers = #tpu.dot_dimension_numbers<[1], [0], [0], [1], [0, 0, 1, 1], [], []>, transpose_lhs_hint = false} : vector<10000x32xf32>, vector<32x32xf32>, vector<10000x32xf32> -> vector<10000x32xf32>
    %get3A_70 = arith.constant 0 : index
    %get3A_71 = arith.constant 0 : index
    %get3A_72 = vector.load %arg8[%get3A_70, %get3A_71] : memref<1x32xf32, #tpu.memory_space<vmem>>, vector<1x32xf32>
    %add3A_73 = vector.broadcast %get3A_72 : vector<1x32xf32> to vector<10000x32xf32>
    %add3A_74 = arith.addf %dot_general3A_69, %add3A_73 : vector<10000x32xf32>
    %max3A_75 = arith.constant 0.000000e+00 : f32
    %max3A_76 = vector.broadcast %max3A_75 : f32 to vector<10000x32xf32>
    %max3A_77 = arith.maximumf %add3A_74, %max3A_76 : vector<10000x32xf32>
    %get3A_78 = arith.constant 0 : index
    %get3A_79 = arith.constant 0 : index
    %get3A_80 = vector.load %arg9[%get3A_78, %get3A_79] : memref<32x1xf32, #tpu.memory_space<vmem>>, vector<32x1xf32>
    %dot_general3A_81 = arith.constant dense<0.000000e+00> : vector<10000x1xf32>
    %dot_general3A_82 = tpu.matmul %max3A_77, %get3A_80, %dot_general3A_81 {dimension_numbers = #tpu.dot_dimension_numbers<[1], [0], [0], [1], [0, 0, 1, 1], [], []>, transpose_lhs_hint = false} : vector<10000x32xf32>, vector<32x1xf32>, vector<10000x1xf32> -> vector<10000x1xf32>
    %squeeze3A = vector.shape_cast %dot_general3A_82 : vector<10000x1xf32> to vector<10000xf32>
    %get3A_83 = arith.constant 0 : index
    %get3A_84 = arith.constant 0 : index
    %get3A_85 = vector.load %arg10[%get3A_83, %get3A_84] : memref<1x1xf32, #tpu.memory_space<vmem>>, vector<1x1xf32>
    %get3A_86 = vector.extract %get3A_85[0, 0] : f32 from vector<1x1xf32>
    %add3A_87 = vector.broadcast %get3A_86 : f32 to vector<10000xf32>
    %add3A_88 = arith.addf %squeeze3A, %add3A_87 : vector<10000xf32>
    %reduce_max3A = vector.shape_cast %add3A_88 : vector<10000xf32> to vector<1x10000xf32>
    %reduce_max3A_89 = arith.constant dense<0xFF800000> : vector<1xf32>
    %reduce_max3A_90 = vector.multi_reduction <maximumf>, %reduce_max3A, %reduce_max3A_89 [1] : vector<1x10000xf32> to vector<1xf32>
    %reduce_max3A_91 = vector.shape_cast %reduce_max3A_90 : vector<1xf32> to vector<1x1xf32>
    %reduce_max3A_92 = vector.extract %reduce_max3A_91[0, 0] : f32 from vector<1x1xf32>
    %sub3A_93 = vector.broadcast %reduce_max3A_92 : f32 to vector<10000xf32>
    %sub3A_94 = arith.subf %add3A_88, %sub3A_93 : vector<10000xf32>
    %exp3A = math.exp %sub3A_94 : vector<10000xf32>
    %broadcast_in_dim3A_95 = vector.shape_cast %exp3A : vector<10000xf32> to vector<10000x1xf32>
    %mul3A_96 = vector.broadcast %broadcast_in_dim3A_95 : vector<10000x1xf32> to vector<10000x32xf32>
    %mul3A_97 = arith.mulf %max3A_65, %mul3A_96 : vector<10000x32xf32>
    %broadcast_in_dim3A_98 = vector.shape_cast %exp3A : vector<10000xf32> to vector<10000x1xf32>
    %broadcast_in_dim3A_99 = arith.constant 0.000000e+00 : f32
    %broadcast_in_dim3A_100 = vector.broadcast %broadcast_in_dim3A_99 : f32 to vector<10000x95xf32>
    %concatenate3A = tpu.concatenate %mul3A_97, %broadcast_in_dim3A_98, %broadcast_in_dim3A_100 in 1 : vector<10000x32xf32>, vector<10000x1xf32>, vector<10000x95xf32> -> vector<10000x128xf32>
    %broadcast_in_dim3A_101 = arith.constant 0.000000e+00 : f32
    %broadcast_in_dim3A_102 = vector.broadcast %broadcast_in_dim3A_101 : f32 to vector<2288x128xf32>
    %concatenate3A_103 = tpu.concatenate %concatenate3A, %broadcast_in_dim3A_102 in 0 : vector<10000x128xf32>, vector<2288x128xf32> -> vector<12288x128xf32>
    %swap3A = arith.constant 0 : index
    %swap3A_104 = arith.constant 0 : index
    %swap3A_105 = vector.load %arg11[%swap3A, %swap3A_104] : memref<12288x128xf32, #tpu.memory_space<vmem>>, vector<12288x128xf32>
    tpu.vector_store %arg11[%swap3A, %swap3A_104], %concatenate3A_103 {strides = array<i32>} : memref<12288x128xf32, #tpu.memory_space<vmem>>, vector<12288x128xf32>,
    return
  }
}

module attributes {stable_mosaic.version = 14 : i64} {
  func.func @_tc4_body(%arg0: memref<2x2048x128xf32, #tpu.memory_space<vmem>>, %arg1: memref<32x32xf32, #tpu.memory_space<vmem>>, %arg2: memref<1x32xf32, #tpu.memory_space<vmem>>, %arg3: memref<1x32xf32, #tpu.memory_space<vmem>>, %arg4: memref<1x32xf32, #tpu.memory_space<vmem>>, %arg5: memref<1x32xf32, #tpu.memory_space<vmem>>, %arg6: memref<32x16xf32, #tpu.memory_space<vmem>>, %arg7: memref<1x16xf32, #tpu.memory_space<vmem>>, %arg8: memref<2000x16xf32, #tpu.memory_space<vmem>>) attributes {dimension_semantics = [], scalar_prefetch = 0 : i64, scratch_operands = 0 : i64, tpu.core_type = #tpu.core_type<tc>} {
    %get3A = arith.constant 0 : index
    %get3A_0 = arith.constant 0 : index
    %get3A_1 = arith.constant 0 : index
    %get3A_2 = vector.load %arg0[%get3A, %get3A_0, %get3A_1] : memref<2x2048x128xf32, #tpu.memory_space<vmem>>, vector<1x2000x32xf32>
    %get3A_3 = vector.shape_cast %get3A_2 : vector<1x2000x32xf32> to vector<2000x32xf32>
    %get3A_4 = arith.constant 1 : index
    %get3A_5 = arith.constant 0 : index
    %get3A_6 = arith.constant 0 : index
    %get3A_7 = vector.load %arg0[%get3A_4, %get3A_5, %get3A_6] : memref<2x2048x128xf32, #tpu.memory_space<vmem>>, vector<1x2000x32xf32>
    %get3A_8 = vector.shape_cast %get3A_7 : vector<1x2000x32xf32> to vector<2000x32xf32>
    %add3A = arith.addf %get3A_3, %get3A_8 : vector<2000x32xf32>
    %get3A_9 = arith.constant 0 : index
    %get3A_10 = arith.constant 0 : index
    %get3A_11 = arith.constant 32 : index
    %get3A_12 = vector.load %arg0[%get3A_9, %get3A_10, %get3A_11] : memref<2x2048x128xf32, #tpu.memory_space<vmem>>, vector<1x2000x1xf32>
    %get3A_13 = vector.shape_cast %get3A_12 : vector<1x2000x1xf32> to vector<2000xf32>
    %get3A_14 = arith.constant 1 : index
    %get3A_15 = arith.constant 0 : index
    %get3A_16 = arith.constant 32 : index
    %get3A_17 = vector.load %arg0[%get3A_14, %get3A_15, %get3A_16] : memref<2x2048x128xf32, #tpu.memory_space<vmem>>, vector<1x2000x1xf32>
    %get3A_18 = vector.shape_cast %get3A_17 : vector<1x2000x1xf32> to vector<2000xf32>
    %add3A_19 = arith.addf %get3A_13, %get3A_18 : vector<2000xf32>
    %add3A_20 = arith.constant 1.000000e-16 : f32
    %add3A_21 = vector.broadcast %add3A_20 : f32 to vector<2000xf32>
    %add3A_22 = arith.addf %add3A_19, %add3A_21 : vector<2000xf32>
    %broadcast_in_dim3A = vector.shape_cast %add3A_22 : vector<2000xf32> to vector<2000x1xf32>
    %div3A = vector.broadcast %broadcast_in_dim3A : vector<2000x1xf32> to vector<2000x32xf32>
    %div3A_23 = arith.divf %add3A, %div3A : vector<2000x32xf32>
    %get3A_24 = arith.constant 0 : index
    %get3A_25 = arith.constant 0 : index
    %get3A_26 = vector.load %arg1[%get3A_24, %get3A_25] : memref<32x32xf32, #tpu.memory_space<vmem>>, vector<32x32xf32>
    %dot_general3A = arith.constant dense<0.000000e+00> : vector<2000x32xf32>
    %dot_general3A_27 = tpu.matmul %div3A_23, %get3A_26, %dot_general3A {dimension_numbers = #tpu.dot_dimension_numbers<[1], [0], [0], [1], [0, 0, 1, 1], [], []>, transpose_lhs_hint = false} : vector<2000x32xf32>, vector<32x32xf32>, vector<2000x32xf32> -> vector<2000x32xf32>
    %get3A_28 = arith.constant 0 : index
    %get3A_29 = arith.constant 0 : index
    %get3A_30 = vector.load %arg2[%get3A_28, %get3A_29] : memref<1x32xf32, #tpu.memory_space<vmem>>, vector<1x32xf32>
    %add3A_31 = vector.broadcast %get3A_30 : vector<1x32xf32> to vector<2000x32xf32>
    %add3A_32 = arith.addf %dot_general3A_27, %add3A_31 : vector<2000x32xf32>
    %get3A_33 = arith.constant 0 : index
    %get3A_34 = arith.constant 0 : index
    %get3A_35 = vector.load %arg3[%get3A_33, %get3A_34] : memref<1x32xf32, #tpu.memory_space<vmem>>, vector<1x32xf32>
    %get3A_36 = arith.constant 0 : index
    %get3A_37 = arith.constant 0 : index
    %get3A_38 = vector.load %arg4[%get3A_36, %get3A_37] : memref<1x32xf32, #tpu.memory_space<vmem>>, vector<1x32xf32>
    %get3A_39 = arith.constant 0 : index
    %get3A_40 = arith.constant 0 : index
    %get3A_41 = vector.load %arg5[%get3A_39, %get3A_40] : memref<1x32xf32, #tpu.memory_space<vmem>>, vector<1x32xf32>
    %reduce_sum3A = arith.constant dense<0.000000e+00> : vector<32xf32>
    %reduce_sum3A_42 = vector.multi_reduction <add>, %add3A_32, %reduce_sum3A [0] : vector<2000x32xf32> to vector<32xf32>
    %broadcast_in_dim3A_43 = vector.shape_cast %reduce_sum3A_42 : vector<32xf32> to vector<1x32xf32>
    %div3A_44 = arith.constant 2.000000e+03 : f32
    %div3A_45 = vector.broadcast %div3A_44 : f32 to vector<1x32xf32>
    %div3A_46 = arith.divf %broadcast_in_dim3A_43, %div3A_45 : vector<1x32xf32>
    %mul3A = arith.mulf %get3A_41, %div3A_46 : vector<1x32xf32>
    %sub3A = vector.broadcast %mul3A : vector<1x32xf32> to vector<2000x32xf32>
    %sub3A_47 = arith.subf %add3A_32, %sub3A : vector<2000x32xf32>
    %mul3A_48 = arith.mulf %sub3A_47, %sub3A_47 : vector<2000x32xf32>
    %reduce_sum3A_49 = arith.constant dense<0.000000e+00> : vector<32xf32>
    %reduce_sum3A_50 = vector.multi_reduction <add>, %mul3A_48, %reduce_sum3A_49 [0] : vector<2000x32xf32> to vector<32xf32>
    %broadcast_in_dim3A_51 = vector.shape_cast %reduce_sum3A_50 : vector<32xf32> to vector<1x32xf32>
    %div3A_52 = arith.constant 2.000000e+03 : f32
    %div3A_53 = vector.broadcast %div3A_52 : f32 to vector<1x32xf32>
    %div3A_54 = arith.divf %broadcast_in_dim3A_51, %div3A_53 : vector<1x32xf32>
    %mul3A_55 = vector.broadcast %get3A_35 : vector<1x32xf32> to vector<2000x32xf32>
    %mul3A_56 = arith.mulf %mul3A_55, %sub3A_47 : vector<2000x32xf32>
    %add3A_57 = arith.constant 9.99999974E-6 : f32
    %add3A_58 = vector.broadcast %add3A_57 : f32 to vector<1x32xf32>
    %add3A_59 = arith.addf %div3A_54, %add3A_58 : vector<1x32xf32>
    %sqrt3A = math.sqrt %add3A_59 : vector<1x32xf32>
    %div3A_60 = vector.broadcast %sqrt3A : vector<1x32xf32> to vector<2000x32xf32>
    %div3A_61 = arith.divf %mul3A_56, %div3A_60 : vector<2000x32xf32>
    %add3A_62 = vector.broadcast %get3A_38 : vector<1x32xf32> to vector<2000x32xf32>
    %add3A_63 = arith.addf %div3A_61, %add3A_62 : vector<2000x32xf32>
    %max3A = arith.constant 0.000000e+00 : f32
    %max3A_64 = vector.broadcast %max3A : f32 to vector<2000x32xf32>
    %max3A_65 = arith.maximumf %add3A_63, %max3A_64 : vector<2000x32xf32>
    %get3A_66 = arith.constant 0 : index
    %get3A_67 = arith.constant 0 : index
    %get3A_68 = vector.load %arg6[%get3A_66, %get3A_67] : memref<32x16xf32, #tpu.memory_space<vmem>>, vector<32x16xf32>
    %dot_general3A_69 = arith.constant dense<0.000000e+00> : vector<2000x16xf32>
    %dot_general3A_70 = tpu.matmul %max3A_65, %get3A_68, %dot_general3A_69 {dimension_numbers = #tpu.dot_dimension_numbers<[1], [0], [0], [1], [0, 0, 1, 1], [], []>, transpose_lhs_hint = false} : vector<2000x32xf32>, vector<32x16xf32>, vector<2000x16xf32> -> vector<2000x16xf32>
    %get3A_71 = arith.constant 0 : index
    %get3A_72 = arith.constant 0 : index
    %get3A_73 = vector.load %arg7[%get3A_71, %get3A_72] : memref<1x16xf32, #tpu.memory_space<vmem>>, vector<1x16xf32>
    %add3A_74 = vector.broadcast %get3A_73 : vector<1x16xf32> to vector<2000x16xf32>
    %add3A_75 = arith.addf %dot_general3A_70, %add3A_74 : vector<2000x16xf32>
    %swap3A = arith.constant 0 : index
    %swap3A_76 = arith.constant 0 : index
    %swap3A_77 = vector.load %arg8[%swap3A, %swap3A_76] : memref<2000x16xf32, #tpu.memory_space<vmem>>, vector<2000x16xf32>
    tpu.vector_store %arg8[%swap3A, %swap3A_76], %add3A_75 {strides = array<i32>} : memref<2000x16xf32, #tpu.memory_space<vmem>>, vector<2000x16xf32>,
    return
  }
}

</mosaic_0001>

<sc_bundles>
// kernel: kernel.10.cloned.1.call-start
scs
__scs_entry_jumppad:
0x0: {  	(pc) =	sbr.rel $0x88, $3  }
0x1: {  	(tag) =	ssettag $0x0;
	lr =	simm.s32 $0x1  }
0x2: {  	[smem:$0x3F84] =	sst lr;
	_ =	strace $0xD0000000  }
0x3: {  	_ = 	snop  }
0x4: {  	_ = 	snop  }
0x5: {  	_ = 	snop  }
0x6: {  	_ = 	snop  }
0x7: {  	_ = 	snop  }
__scs_overlays_trampoline_lowered:
0x8: {  	[smem:$0x3F93] =	sst s0  }
0x9: {  	[smem:$0x3F94] =	sst s1  }
0xa: {  	[smem:$0x3F95] =	sst s2  }
0xb: {  	[smem:$0x3F96] =	sst s3  }
0xc: {  	[smem:$0x3F97] =	sst s4  }
0xd: {  	[smem:$0x3F98] =	sst s5  }
0xe: {  	[smem:$0x3F99] =	sst s6  }
0xf: {  	[smem:$0x3F9A] =	sst s7  }
0x10: {  	[smem:$0x3F9B] =	sst s8  }
0x11: {  	[smem:$0x3F9C] =	sst s9;
	s0 =	simm.s32 @!p0 $0x0  }
0x12: {  	s1 =	sld [smem:$0x3F82];
	s0 =	simm.s32 @p0 $0x1  }
0x13: {  	[smem:$0x3F9D] =	sst s0;
	s0 =	simm.s32 @!p1 $0x0  }
0x14: {  	s2 =	sld [smem:$0x3F81];
	s0 =	simm.s32 @p1 $0x1  }
0x15: {  	[smem:$0x3F9E] =	sst s0;
	s0 =	simm.s32 @!p2 $0x0  }
0x16: {  	s3 =	sld [smem:$0x3FDB];
	s0 =	simm.s32 @p2 $0x1  }
0x17: {  	s4 =	simm.s32 $0x1BF5;
	[smem:$0x3FA0] =	sst s0  }
0x18: {  	s0 =	sld [smem:$0x3F83];
	_ =	swait.ge [sflag:s4], $0x0  }
0x19: {  	s7 =	sld [smem:$0x3F84]  }
0x1a: {  	s8 =	sadd.s32 $0xFFFFE003, lr  }
0x1b: {  	s9 =	sadd.s32 $0xFFFFFEF7, lr;
	s5 =	simm.s32 $0xFFFFFFFF;
	p2 =	slt.u32 s8, $0xFFFFF086  }
0x1c: {  	p1 =	slt.u32 s9, $0xF7A;
	s5 =	simm.s32 @!p2 $0x0  }
0x1d: {  	s5 =	simm.s32 @p1 $0x1;
	p0 =	seq.s32 s7, s2  }
0x1e: {  	s7 =	smul.u32 @!p0 $0xF7A, s2;
	p2 =	seq.s32 @!p0 s5, $0x0  }
0x1f: {  	s9 =	smul.u32 $0xF7A, s1;
	s8 =	simm.s32 @!p0 $0x1BF5;
	p2 =	por !p2, p0  }
0x20: {  	[sflag:s8] =	ssyncset.s32 @!p0 $0xFFFFF086;
	s6 =	sadd.s32 @!p0 s3, s7;
	s7 =	simm.s32 @!p0 $0x108  }
0x21: {  	s3 =	sadd.s32 s3, s9;
	s6 =	sadd.s32 @!p0 $0x88, s6;
	s7 =	simm.s32 @p2 $0x1082  }
0x22: {  	[simem:s7], [sflag:s8] =	dma.local @!p0 [hbm:s6], $0xF7A  }
0x23: {  	s9 =	sor.u32 $0xD0000000, s2;
	s6 =	simm.s32 $0x108;
	_ =	swait.ge @!p0 [sflag:s8], $0x0  }
0x24: {  	s3 =	sadd.s32 $0x88, s3;
	s6 =	simm.s32 @!p1 $0x1082;
	[sflag:s4] =	ssyncset.s32 $0xFFFFF086  }
0x25: {  	[simem:s6], [sflag:s4] =	dma.local [hbm:s3], $0xF7A  }
0x26: {  	[smem:$0x3F84] =	sst s1;
	(tag) =	ssettag s2;
	_ =	strace s9  }
0x27: {  	s1 =	sld [smem:$0x3F94]  }
0x28: {  	s2 =	sld [smem:$0x3F95]  }
0x29: {  	s4 =	sld [smem:$0x3F97]  }
0x2a: {  	p0 =	seq.s32 s5, $0x0;
	s5 =	sld [smem:$0x3F98]  }
0x2b: {  	s6 =	sld [smem:$0x3F99]  }
0x2c: {  	s7 =	sld [smem:$0x3F9A]  }
0x2d: {  	s3 =	simm.s32 $0x108;
	s8 =	sld [smem:$0x3F9B]  }
0x2e: {  	s3 =	simm.s32 @!p0 $0x1082;
	s9 =	sld [smem:$0x3F9C]  }
0x2f: {  	lr =	sadd.s32 s0, s3;
	s0 =	sld [smem:$0x3F93]  }
0x30: {  	s3 =	sld [smem:$0x3F96]  }
0x31: {  	[smem:$0x3F9F] =	sst s10  }
0x32: {  	s10 =	sld [smem:$0x3F9D];
	_ =	sdelay $0x3  }
0x33: {  	p0 =	seq.s32 s10, $0x1;
	s10 =	sld [smem:$0x3F9F];
	_ =	sdelay $0x3  }
0x34: {  	[smem:$0x3F9F] =	sst s10  }
0x35: {  	s10 =	sld [smem:$0x3F9E];
	_ =	sdelay $0x3  }
0x36: {  	p1 =	seq.s32 s10, $0x1;
	s10 =	sld [smem:$0x3F9F];
	_ =	sdelay $0x3  }
0x37: {  	[smem:$0x3F9F] =	sst s10  }
0x38: {  	s10 =	sld [smem:$0x3FA0]  }
0x39: {  	_ = 	snop;
	(pc) =	sbr.ind lr, $3  }
0x3a: {  	_ = 	snop  }
0x3b: {  	_ = 	snop  }
0x3c: {  	p2 =	seq.s32 s10, $0x1;
	s10 =	sld [smem:$0x3F9F]  }
0x3d: {  	_ =	shalt  }
0x3e: {  	_ =	shalt  }
0x3f: {  	_ =	shalt  }
0x40: {  	_ =	shalt  }
0x41: {  	_ =	shalt  }
0x42: {  	_ =	shalt  }
0x43: {  	_ =	shalt  }
0x44: {  	_ =	shalt  }
0x45: {  	_ =	shalt  }
0x46: {  	_ =	shalt  }
0x47: {  	_ =	shalt  }
0x48: {  	_ =	shalt  }
0x49: {  	_ =	shalt  }
0x4a: {  	_ =	shalt  }
0x4b: {  	_ =	shalt  }
0x4c: {  	_ =	shalt  }
0x4d: {  	_ =	shalt  }
0x4e: {  	_ =	shalt  }
0x4f: {  	_ =	shalt  }
0x50: {  	_ =	shalt  }
0x51: {  	_ =	shalt  }
0x52: {  	_ =	shalt  }
0x53: {  	_ =	shalt  }
0x54: {  	_ =	shalt  }
0x55: {  	_ =	shalt  }
0x56: {  	_ =	shalt  }
0x57: {  	_ =	shalt  }
0x58: {  	_ =	shalt  }
0x59: {  	_ =	shalt  }
0x5a: {  	_ =	shalt  }
0x5b: {  	_ =	shalt  }
0x5c: {  	_ =	shalt  }
0x5d: {  	_ =	shalt  }
0x5e: {  	_ =	shalt  }
0x5f: {  	_ =	shalt  }
0x60: {  	_ =	shalt  }
0x61: {  	_ =	shalt  }
0x62: {  	_ =	shalt  }
0x63: {  	_ =	shalt  }
0x64: {  	_ =	shalt  }
0x65: {  	_ =	shalt  }
0x66: {  	_ =	shalt  }
0x67: {  	_ =	shalt  }
0x68: {  	_ =	shalt  }
0x69: {  	_ =	shalt  }
0x6a: {  	_ =	shalt  }
0x6b: {  	_ =	shalt  }
0x6c: {  	_ =	shalt  }
0x6d: {  	_ =	shalt  }
0x6e: {  	_ =	shalt  }
0x6f: {  	_ =	shalt  }
0x70: {  	_ =	shalt  }
0x71: {  	_ =	shalt  }
0x72: {  	_ =	shalt  }
0x73: {  	_ =	shalt  }
0x74: {  	_ =	shalt  }
0x75: {  	_ =	shalt  }
0x76: {  	_ =	shalt  }
0x77: {  	_ =	shalt  }
0x78: {  	_ =	shalt  }
0x79: {  	_ =	shalt  }
0x7a: {  	_ =	shalt  }
0x7b: {  	_ =	shalt  }
0x7c: {  	_ =	shalt  }
0x7d: {  	_ =	shalt  }
0x7e: {  	_ =	shalt  }
0x7f: {  	_ =	shalt  }
0x80: {  	_ =	shalt  }
0x81: {  	_ =	shalt  }
0x82: {  	_ =	shalt  }
0x83: {  	_ =	shalt  }
0x84: {  	_ =	shalt  }
0x85: {  	_ =	shalt  }
0x86: {  	_ =	shalt  }
0x87: {  	_ =	shalt  }
.Lfunc_end0:
.L_simem_size_0:
called_computation_lowered:
.L_overlay_start_0:
0x88: {  	s2 =	sld [smem:$0x3FD9]  }
0x89: {  	s3 =	sld [smem:$0x3FFE];
	_ =	sdelay $0x1  }
0x8a: {  	s1 =	srdreg.scid  }
0x8b: {  	s0 =	sand.u32 $0x1, s1  }
0x8c: {  	s17 =	sshll.u32 s0, $0xA;
	s2 =	sadd.s32 s3, s2  }
0x8d: {  	s2 =	sadd.s32 s2, s17  }
0x8e: {  	[smem:$0x3FAB] =	sst s2  }
0x8f: {  	_ = 	snop  }
0x90: {  	s2 =	sld [smem:$0x3FD0];
	(tm) =	ssettm $0x1  }
0x91: {  	s18 =	sld [smem:$0x3FFB];
	_ =	sdelay $0x3  }
0x92: {  	_ =	strace s18  }
0x93: {  	s3 =	sld [smem:$0x3FFC];
	_ =	sdelay $0x3  }
0x94: {  	_ =	strace s3  }
0x95: {  	s3 =	sld [smem:$0x3FFD];
	_ =	sdelay $0x3  }
0x96: {  	_ =	strace s3  }
0x97: {  	_ =	strace $0x8FFFFFFF  }
0x98: {  	s19 =	sld [smem:$0x3FDB];
	_ =	sdelay $0x1  }
0x99: {  	s4 =	simm.s32 $_scs_section_size  }
0x9a: {  	s5 =	simm.s32 $_size__tile_overlayer_lowered;
	s6 =	simm.s32 $_tile_overlayer_lowered  }
0x9b: {  	s22 =	simm.s32 $0x1BFF;
	s21 =	sshll.u32 s6, $0x1;
	s3 =	sadd.s32 s4, s19  }
0x9c: {  	s7 =	simm.s32 $0x0;
	s20 =	sshll.u32 s5, $0x1;
	s5 =	sadd.s32 s21, s3  }
0x9d: {  	[timem:s7], [sflag:s22] =	dma.local [hbm:s5], s20  }
0x9e: {  	_ =	swait.ge [sflag:s22], s20  }
0x9f: {  	s4 =	ssub.s32 $0x0, s20;
	[sflag:s22] =	ssyncset.done $0x0  }
0xa0: {  	[sflag:s22] =	ssyncadd.s32 s4;
	_ =	sdelay $0x1  }
0xa1: {  	s23 =	simm.s32 $0x1B8B  }
0xa2: {  	_ =	swait.ge [sflag:s23], $0x1  }
0xa3: {  	[sflag:s23] =	ssyncset.done $0x0  }
0xa4: {  	s25 =	simm.s32 $0x1B8E;
	s24 =	sld [smem:$0x3FFE];
	[sflag:s23] =	ssyncadd.s32 $0xFFFFFFFF  }
0xa5: {  	s26 =	simm.s32 $execute0_lowered;
	[smem:$0x3FD2] =	sst s25  }
0xa6: {  	s5 =	sshll.u32 s26, $0x1;
	_ =	strace $0x80000046;
	[dreg:$0x1] =	wrdreg $0xFFFFFFFF  }
0xa7: {  	s28 =	simm.s32 $_size_execute0_lowered;
	s3 =	sadd.s32 s3, s5;
	[dreg:$0x0] =	wrdreg $0x0  }
0xa8: {  	s5 =	sshll.u32 s28, $0x1;
	[dreg:$0x2] =	wrdreg s3  }
0xa9: {  	[dreg:$0x3] =	wrdreg s5  }
0xaa: {  	[dreg:$0x4] =	wrdreg $0xC0  }
0xab: {  	_ =	task [dreg:s7], $0x5FFFF  }
0xac: {  	[dreg:$0x1] =	wrdreg $0xFFFFFFFF  }
0xad: {  	[dreg:$0x0] =	wrdreg $0x60  }
0xae: {  	[dreg:$0x2] =	wrdreg s24  }
0xaf: {  	[dreg:$0x3] =	wrdreg s2  }
0xb0: {  	[dreg:$0x4] =	wrdreg $0x4F800  }
0xb1: {  	[dreg:$0x5] =	wrdreg $0x9  }
0xb2: {  	_ =	task.clear_ibuf [dreg:s7], $0x6FFFF;
	_ =	strace $0x90000046  }
0xb3: {  	s29 =	simm.s32 $0x9;
	_ =	strace $0x80000048  }
0xb4: {  	_ =	swait.ge [sflag:s29], $0x1  }
0xb5: {  	[sflag:s29] =	ssyncadd.s32 $0xFFFFFFFF  }
0xb6: {  	_ =	strace $0x90000048  }
0xb7: {  	_ =	sfence  }
0xb8: {  	s30 =	sld [smem:$0x0];
	_ =	sdelay $0x2  }
0xb9: {  	s31 =	sshll.u32 s1, $0xD;
	s1 =	sshrl.u32 s1, $0x2  }
0xba: {  	s3 =	sand.u32 $0x4000, s31;
	s1 =	sadd.s32 s1, s30  }
0xbb: {  	s0 =	sor.u32 s3, s0;
	s1 =	sshll.u32 s1, $0x11  }
0xbc: {  	s0 =	sor.u32 s1, s0  }
0xbd: {  	s0 =	sadd.s32 $0x8F2B, s0  }
0xbe: {  	[sflag:s0] =	ssyncadd.remote.s32 $0x1  }
0xbf: {  	_ =	sfence.sel $0xFFFF  }
0xc0: {  	[dreg:$0x0] =	wrdreg $0xFFFFFFFF;
	(pc) =	sbr.abs _section_cstart, $3  }
0xc1: {  	[dreg:$0x1] =	wrdreg $0xFFFFFFFF  }
0xc2: {  	_ =	task.clear_ibuf [dreg:s7], $0x2FFFF;
	_ =	strace $0x9FFFFFFF  }
0xc3: {  	(tm) =	ssettm $0x7FFFFFFF  }
tec
execute0_lowered:
.L_overlay_start_1:
0x0: {  	(tag) =	ssettag $0x1  }
0x1: {  	s5 =	rddreg [dreg:$0x0]  }
0x2: {  	s1 =	srdreg.scid;
	s2 =	rddreg [dreg:$0x1]  }
0x3: {  	s0 =	stileid.u32;
	s3 =	rddreg [dreg:$0x2]  }
0x4: {  	s4 =	simm.s32 $0x0;
	s13 =	simm.s32 $0x50;
	s14 =	simm.s32 $0x0  }
0x5: {  	s6 =	sand.u32 $0x1, s1;
	s28 =	sshll.u32 s0, $0x1;
	s8 =	smul.u32 $0x13C00, s0  }
0x6: {  	[smem:$0x7FF] =	sst s4;
	s29 =	smul.u32 $0x4F000, s0;
	s31 =	sshll.u32 s0, $0x6  }
0x7: {  	s1 =	sor.u32 s6, s28;
	s9 =	smul.u32 $0x13C000, s6;
	s6 =	ssub.s32 $0x2, s6  }
0x8: {  	s7 =	smul.u32 $0x4E2, s1;
	s1 =	rddreg [dreg:$0x3];
	_ =	strace $0x80000047  }
0x9: {  	s10 =	sshrl.u32 s8, $0x3;
	s11 =	sshrl.u32 s6, $0x1;
	s30 =	sshrl.u32 s29, $0x2  }
0xa: {  	s8 =	sadd.s32 s8, s9;
	s10 =	sadd.s32 s10, s5;
	s11 =	ssub.s32 s6, s11  }
0xb: {  	s12 =	sadd.s32 s30, s3;
	s6 =	sor.u32 $0x1C01, s31;
	s7 =	sadd.s32 s7, s5  }
0xc: {  	s8 =	sshrl.u32 s8, $0x3;
	s9 =	smax.u32 s11, $0x1;
	s11 =	simm.s32 $0x1  }
0xd: {  	s8 =	sadd.s32 s8, s5;
	s5 =	sadd.s32 $0x19800, s10;
	s7 =	sadd.s32 $0xFA00, s7  }
0xe: {  	s10 =	sshrl.u32 s12, $0x3;
	s12 =	simm.s32 $0x2780;
	s8 =	sadd.s32 $0x41000, s8  }
.LBB2_1:
0xf: {  	[spmem:s10], [sflag:s6] =	dma.local [hbm:s5], $0x2780  }
0x10: {  	_ =	swait.ge [sflag:s11], $0x2780  }
0x11: {  	[sflag:s11] =	ssyncset.done $0x0  }
0x12: {  	[sflag:s11] =	ssyncadd.s32 $0xFFFFD880  }
0x13: {  	[tilespmem:s4], [sflag:$0x1] =	stream.linear.gather [hbm4b:s7+s4], $0x2710, $0x38;
	[tilespmem:$0x18B80] =	vst v63  }
0x14: {  	_ =	swait.ge [sflag:s11], $0x2710  }
0x15: {  	[sflag:s11] =	ssyncset.done $0x0  }
0x16: {  	[sflag:s11] =	ssyncadd.s32 $0xFFFFD8F0  }
0x17: {  	[tilespmem:s12], [sflag:$0x1] =	stream.linear.gather [hbm4b:s2+s4], $0x2800, $0x38;
	[tilespmem:$0x18B80] =	vst v63  }
0x18: {  	_ =	swait.ge [sflag:s11], $0x2800  }
0x19: {  	[sflag:s11] =	ssyncset.done $0x0  }
0x1a: {  	[sflag:s11] =	ssyncadd.s32 $0xFFFFD800  }
0x1b: {  	s15 =	simm.s32 $0x0;
	[bflag:$0x0] =	sbarrier.arrive $0xFFFF  }
0x1c: {  	[spmem:s3] =	stream.indirect.scatter.add.f32 [tilespmem:s12], [sflag:$0x1], $0x80, s15, s13, $0xb8;
	[tilespmem:$0x18B80] =	vst v63  }
0x1d: {  	_ =	swait.ge [sflag:s11], $0x2800  }
0x1e: {  	s15 =	simm.s32 $0x140;
	[sflag:s11] =	ssyncset.done $0x0  }
.LBB2_2:
0x1f: {  	s16 =	sshra.s32 s15, $0x2;
	[sflag:s11] =	ssyncadd.s32 $0xFFFFD800;
	p0 =	sne.s32 s15, $0x9B00  }
0x20: {  	[spmem:s3] =	stream.indirect.scatter.add.f32 [tilespmem:s12], [sflag:$0x1], $0x80, s16, s13, $0xb8;
	[tilespmem:$0x18B80] =	vst v63  }
.Ltmp0:
0x21: {  	_ = 	snop;
	(pc) =	sbr.rel @p0 .LBB2_2-.Ltmp0, $4  }
0x22: {  	_ = 	snop  }
0x23: {  	s15 =	sadd.s32 $0x140, s15  }
0x24: {  	_ =	swait.ge [sflag:s11], $0x2800  }
0x25: {  	[sflag:s11] =	ssyncset.done $0x0  }
0x26: {  	s14 =	sadd.s32 $0x1, s14  }
0x27: {  	[sflag:s11] =	ssyncadd.s32 $0xFFFFD800;
	p0 =	sne.s32 s14, s9  }
.Ltmp1:
0x28: {  	[bflag:$0x0] =	sbarrier.arrive $0xFFFF;
	(pc) =	sbr.rel @p0 .LBB2_1-.Ltmp1, $4  }
0x29: {  	[hbm:s8], [sflag:s6] =	dma.local [spmem:s10], $0x2780  }
0x2a: {  	_ =	swait.ge [sflag:s11], $0x2780  }
0x2b: {  	[sflag:s11] =	ssyncset.done $0x0  }
0x2c: {  	[sflag:s11] =	ssyncadd.s32 $0xFFFFD880  }
0x2d: {  	_ =	sfence.sel $0x180000  }
0x2e: {  	[bflag:$0x0] =	sbarrier.arrive $0xFFFF  }
0x2f: {  	p0 =	sne.s32 s0, $0x0;
	_ =	strace $0x90000047  }
0x30: {  	s0 =	sadd.s32 @!p0 $0x100000, s1;
	[bflag:$0x2] =	sbarrier.arrive $0xFFFF  }
0x31: {  	[sflag:s0] =	ssyncadd.tile.s32 @!p0 $0x1;
	_ =	shalt  }
.Lfunc_end2:
_tile_overlayer_lowered:
.L_overlay_start_2:
0x32: {  	(tag) =	ssettag $0x2  }
0x33: {  	s0 =	rddreg [dreg:$0x0];
	s2 =	stileid.u32  }
0x34: {  	s1 =	rddreg [dreg:$0x1];
	p0 =	sne.s32 s2, $0x0  }
0x35: {  	s3 =	rddreg [dreg:$0x2];
	[bflag:$0x3] =	sbarrier.arrive $0xFFFF;
	s2 =	simm.s32 @!p0 $0x1C01  }
0x36: {  	[timem:s3], [sflag:s2] =	dma.local @!p0 [hbm:s0], s1  }
0x37: {  	s0 =	simm.s32 @!p0 $0x1  }
0x38: {  	_ =	swait.ge @!p0 [sflag:s0], s1  }
0x39: {  	s1 =	ssub.s32 @!p0 $0x0, s1;
	[sflag:s0] =	ssyncset.done @!p0 $0x0  }
0x3a: {  	[sflag:s0] =	ssyncadd.s32 @!p0 s1  }
0x3b: {  	[bflag:$0x3] =	sbarrier.arrive $0xFFFF  }
0x3c: {  	_ =	shalt  }

// kernel: kernel.13.cloned.1.call-start
scs
__scs_entry_jumppad:
0x0: {  	(pc) =	sbr.rel $0x88, $3  }
0x1: {  	(tag) =	ssettag $0x0;
	lr =	simm.s32 $0x1  }
0x2: {  	[smem:$0x3F84] =	sst lr;
	_ =	strace $0xD0000000  }
0x3: {  	_ = 	snop  }
0x4: {  	_ = 	snop  }
0x5: {  	_ = 	snop  }
0x6: {  	_ = 	snop  }
0x7: {  	_ = 	snop  }
__scs_overlays_trampoline_lowered:
0x8: {  	[smem:$0x3F93] =	sst s0  }
0x9: {  	[smem:$0x3F94] =	sst s1  }
0xa: {  	[smem:$0x3F95] =	sst s2  }
0xb: {  	[smem:$0x3F96] =	sst s3  }
0xc: {  	[smem:$0x3F97] =	sst s4  }
0xd: {  	[smem:$0x3F98] =	sst s5  }
0xe: {  	[smem:$0x3F99] =	sst s6  }
0xf: {  	[smem:$0x3F9A] =	sst s7  }
0x10: {  	[smem:$0x3F9B] =	sst s8  }
0x11: {  	[smem:$0x3F9C] =	sst s9;
	s0 =	simm.s32 @!p0 $0x0  }
0x12: {  	s1 =	sld [smem:$0x3F82];
	s0 =	simm.s32 @p0 $0x1  }
0x13: {  	[smem:$0x3F9D] =	sst s0;
	s0 =	simm.s32 @!p1 $0x0  }
0x14: {  	s2 =	sld [smem:$0x3F81];
	s0 =	simm.s32 @p1 $0x1  }
0x15: {  	[smem:$0x3F9E] =	sst s0;
	s0 =	simm.s32 @!p2 $0x0  }
0x16: {  	s3 =	sld [smem:$0x3FDB];
	s0 =	simm.s32 @p2 $0x1  }
0x17: {  	s4 =	simm.s32 $0x1BF5;
	[smem:$0x3FA0] =	sst s0  }
0x18: {  	s0 =	sld [smem:$0x3F83];
	_ =	swait.ge [sflag:s4], $0x0  }
0x19: {  	s7 =	sld [smem:$0x3F84]  }
0x1a: {  	s8 =	sadd.s32 $0xFFFFE003, lr  }
0x1b: {  	s9 =	sadd.s32 $0xFFFFFEF7, lr;
	s5 =	simm.s32 $0xFFFFFFFF;
	p2 =	slt.u32 s8, $0xFFFFF086  }
0x1c: {  	p1 =	slt.u32 s9, $0xF7A;
	s5 =	simm.s32 @!p2 $0x0  }
0x1d: {  	s5 =	simm.s32 @p1 $0x1;
	p0 =	seq.s32 s7, s2  }
0x1e: {  	s7 =	smul.u32 @!p0 $0xF7A, s2;
	p2 =	seq.s32 @!p0 s5, $0x0  }
0x1f: {  	s9 =	smul.u32 $0xF7A, s1;
	s8 =	simm.s32 @!p0 $0x1BF5;
	p2 =	por !p2, p0  }
0x20: {  	[sflag:s8] =	ssyncset.s32 @!p0 $0xFFFFF086;
	s6 =	sadd.s32 @!p0 s3, s7;
	s7 =	simm.s32 @!p0 $0x108  }
0x21: {  	s3 =	sadd.s32 s3, s9;
	s6 =	sadd.s32 @!p0 $0x88, s6;
	s7 =	simm.s32 @p2 $0x1082  }
0x22: {  	[simem:s7], [sflag:s8] =	dma.local @!p0 [hbm:s6], $0xF7A  }
0x23: {  	s9 =	sor.u32 $0xD0000000, s2;
	s6 =	simm.s32 $0x108;
	_ =	swait.ge @!p0 [sflag:s8], $0x0  }
0x24: {  	s3 =	sadd.s32 $0x88, s3;
	s6 =	simm.s32 @!p1 $0x1082;
	[sflag:s4] =	ssyncset.s32 $0xFFFFF086  }
0x25: {  	[simem:s6], [sflag:s4] =	dma.local [hbm:s3], $0xF7A  }
0x26: {  	[smem:$0x3F84] =	sst s1;
	(tag) =	ssettag s2;
	_ =	strace s9  }
0x27: {  	s1 =	sld [smem:$0x3F94]  }
0x28: {  	s2 =	sld [smem:$0x3F95]  }
0x29: {  	s4 =	sld [smem:$0x3F97]  }
0x2a: {  	p0 =	seq.s32 s5, $0x0;
	s5 =	sld [smem:$0x3F98]  }
0x2b: {  	s6 =	sld [smem:$0x3F99]  }
0x2c: {  	s7 =	sld [smem:$0x3F9A]  }
0x2d: {  	s3 =	simm.s32 $0x108;
	s8 =	sld [smem:$0x3F9B]  }
0x2e: {  	s3 =	simm.s32 @!p0 $0x1082;
	s9 =	sld [smem:$0x3F9C]  }
0x2f: {  	lr =	sadd.s32 s0, s3;
	s0 =	sld [smem:$0x3F93]  }
0x30: {  	s3 =	sld [smem:$0x3F96]  }
0x31: {  	[smem:$0x3F9F] =	sst s10  }
0x32: {  	s10 =	sld [smem:$0x3F9D];
	_ =	sdelay $0x3  }
0x33: {  	p0 =	seq.s32 s10, $0x1;
	s10 =	sld [smem:$0x3F9F];
	_ =	sdelay $0x3  }
0x34: {  	[smem:$0x3F9F] =	sst s10  }
0x35: {  	s10 =	sld [smem:$0x3F9E];
	_ =	sdelay $0x3  }
0x36: {  	p1 =	seq.s32 s10, $0x1;
	s10 =	sld [smem:$0x3F9F];
	_ =	sdelay $0x3  }
0x37: {  	[smem:$0x3F9F] =	sst s10  }
0x38: {  	s10 =	sld [smem:$0x3FA0]  }
0x39: {  	_ = 	snop;
	(pc) =	sbr.ind lr, $3  }
0x3a: {  	_ = 	snop  }
0x3b: {  	_ = 	snop  }
0x3c: {  	p2 =	seq.s32 s10, $0x1;
	s10 =	sld [smem:$0x3F9F]  }
0x3d: {  	_ =	shalt  }
0x3e: {  	_ =	shalt  }
0x3f: {  	_ =	shalt  }
0x40: {  	_ =	shalt  }
0x41: {  	_ =	shalt  }
0x42: {  	_ =	shalt  }
0x43: {  	_ =	shalt  }
0x44: {  	_ =	shalt  }
0x45: {  	_ =	shalt  }
0x46: {  	_ =	shalt  }
0x47: {  	_ =	shalt  }
0x48: {  	_ =	shalt  }
0x49: {  	_ =	shalt  }
0x4a: {  	_ =	shalt  }
0x4b: {  	_ =	shalt  }
0x4c: {  	_ =	shalt  }
0x4d: {  	_ =	shalt  }
0x4e: {  	_ =	shalt  }
0x4f: {  	_ =	shalt  }
0x50: {  	_ =	shalt  }
0x51: {  	_ =	shalt  }
0x52: {  	_ =	shalt  }
0x53: {  	_ =	shalt  }
0x54: {  	_ =	shalt  }
0x55: {  	_ =	shalt  }
0x56: {  	_ =	shalt  }
0x57: {  	_ =	shalt  }
0x58: {  	_ =	shalt  }
0x59: {  	_ =	shalt  }
0x5a: {  	_ =	shalt  }
0x5b: {  	_ =	shalt  }
0x5c: {  	_ =	shalt  }
0x5d: {  	_ =	shalt  }
0x5e: {  	_ =	shalt  }
0x5f: {  	_ =	shalt  }
0x60: {  	_ =	shalt  }
0x61: {  	_ =	shalt  }
0x62: {  	_ =	shalt  }
0x63: {  	_ =	shalt  }
0x64: {  	_ =	shalt  }
0x65: {  	_ =	shalt  }
0x66: {  	_ =	shalt  }
0x67: {  	_ =	shalt  }
0x68: {  	_ =	shalt  }
0x69: {  	_ =	shalt  }
0x6a: {  	_ =	shalt  }
0x6b: {  	_ =	shalt  }
0x6c: {  	_ =	shalt  }
0x6d: {  	_ =	shalt  }
0x6e: {  	_ =	shalt  }
0x6f: {  	_ =	shalt  }
0x70: {  	_ =	shalt  }
0x71: {  	_ =	shalt  }
0x72: {  	_ =	shalt  }
0x73: {  	_ =	shalt  }
0x74: {  	_ =	shalt  }
0x75: {  	_ =	shalt  }
0x76: {  	_ =	shalt  }
0x77: {  	_ =	shalt  }
0x78: {  	_ =	shalt  }
0x79: {  	_ =	shalt  }
0x7a: {  	_ =	shalt  }
0x7b: {  	_ =	shalt  }
0x7c: {  	_ =	shalt  }
0x7d: {  	_ =	shalt  }
0x7e: {  	_ =	shalt  }
0x7f: {  	_ =	shalt  }
0x80: {  	_ =	shalt  }
0x81: {  	_ =	shalt  }
0x82: {  	_ =	shalt  }
0x83: {  	_ =	shalt  }
0x84: {  	_ =	shalt  }
0x85: {  	_ =	shalt  }
0x86: {  	_ =	shalt  }
0x87: {  	_ =	shalt  }
.Lfunc_end0:
.L_simem_size_0:
called_computation.1_lowered:
.L_overlay_start_0:
0x88: {  	s2 =	sld [smem:$0x3FD9]  }
0x89: {  	s3 =	sld [smem:$0x3FFE];
	_ =	sdelay $0x1  }
0x8a: {  	s1 =	srdreg.scid  }
0x8b: {  	s0 =	sand.u32 $0x1, s1  }
0x8c: {  	s16 =	sshll.u32 s0, $0xA;
	s2 =	sadd.s32 s3, s2  }
0x8d: {  	s2 =	sadd.s32 s2, s16  }
0x8e: {  	[smem:$0x3FAB] =	sst s2  }
0x8f: {  	_ = 	snop  }
0x90: {  	(tm) =	ssettm $0x1  }
0x91: {  	s17 =	sld [smem:$0x3FFB];
	_ =	sdelay $0x3  }
0x92: {  	_ =	strace s17  }
0x93: {  	s2 =	sld [smem:$0x3FFC];
	_ =	sdelay $0x3  }
0x94: {  	_ =	strace s2  }
0x95: {  	s2 =	sld [smem:$0x3FFD];
	_ =	sdelay $0x3  }
0x96: {  	_ =	strace s2  }
0x97: {  	_ =	strace $0x8FFFFFFF  }
0x98: {  	s18 =	sld [smem:$0x3FDB];
	_ =	sdelay $0x1  }
0x99: {  	s19 =	simm.s32 $_scs_section_size  }
0x9a: {  	s4 =	simm.s32 $_size__tile_overlayer_lowered;
	s5 =	simm.s32 $_tile_overlayer_lowered  }
0x9b: {  	s22 =	simm.s32 $0x1BFF;
	s21 =	sshll.u32 s5, $0x1;
	s2 =	sadd.s32 s19, s18  }
0x9c: {  	s6 =	simm.s32 $0x0;
	s20 =	sshll.u32 s4, $0x1;
	s4 =	sadd.s32 s21, s2  }
0x9d: {  	[timem:s6], [sflag:s22] =	dma.local [hbm:s4], s20  }
0x9e: {  	_ =	swait.ge [sflag:s22], s20  }
0x9f: {  	s3 =	ssub.s32 $0x0, s20;
	[sflag:s22] =	ssyncset.done $0x0  }
0xa0: {  	[sflag:s22] =	ssyncadd.s32 s3;
	_ =	sdelay $0x1  }
0xa1: {  	s23 =	simm.s32 $0x1B8B  }
0xa2: {  	_ =	swait.ge [sflag:s23], $0x1  }
0xa3: {  	[sflag:s23] =	ssyncset.done $0x0  }
0xa4: {  	s25 =	simm.s32 $0x1B8E;
	s24 =	sld [smem:$0x3FFE];
	[sflag:s23] =	ssyncadd.s32 $0xFFFFFFFF  }
0xa5: {  	s26 =	simm.s32 $execute0_lowered;
	[smem:$0x3FD2] =	sst s25  }
0xa6: {  	s4 =	sshll.u32 s26, $0x1;
	_ =	strace $0x80000049;
	[dreg:$0x1] =	wrdreg $0xFFFFFFFF  }
0xa7: {  	s28 =	simm.s32 $_size_execute0_lowered;
	s2 =	sadd.s32 s2, s4;
	[dreg:$0x0] =	wrdreg $0x0  }
0xa8: {  	s4 =	sshll.u32 s28, $0x1;
	[dreg:$0x2] =	wrdreg s2  }
0xa9: {  	[dreg:$0x3] =	wrdreg s4  }
0xaa: {  	[dreg:$0x4] =	wrdreg $0xC0  }
0xab: {  	_ =	task [dreg:s6], $0x5FFFF  }
0xac: {  	[dreg:$0x1] =	wrdreg $0xFFFFFFFF  }
0xad: {  	[dreg:$0x0] =	wrdreg $0x60  }
0xae: {  	[dreg:$0x2] =	wrdreg s24  }
0xaf: {  	[dreg:$0x3] =	wrdreg $0x9F000  }
0xb0: {  	[dreg:$0x4] =	wrdreg $0x9  }
0xb1: {  	_ =	task.clear_ibuf [dreg:s6], $0x5FFFF;
	_ =	strace $0x90000049  }
0xb2: {  	s29 =	simm.s32 $0x9;
	_ =	strace $0x8000004B  }
0xb3: {  	_ =	swait.ge [sflag:s29], $0x1  }
0xb4: {  	[sflag:s29] =	ssyncadd.s32 $0xFFFFFFFF  }
0xb5: {  	_ =	strace $0x9000004B  }
0xb6: {  	_ =	sfence  }
0xb7: {  	s30 =	sld [smem:$0x0];
	_ =	sdelay $0x2  }
0xb8: {  	s31 =	sshll.u32 s1, $0xD;
	s1 =	sshrl.u32 s1, $0x2  }
0xb9: {  	s3 =	sand.u32 $0x4000, s31;
	s1 =	sadd.s32 s1, s30  }
0xba: {  	s0 =	sor.u32 s3, s0;
	s1 =	sshll.u32 s1, $0x11  }
0xbb: {  	s0 =	sor.u32 s1, s0  }
0xbc: {  	s0 =	sadd.s32 $0x8F2B, s0  }
0xbd: {  	[sflag:s0] =	ssyncadd.remote.s32 $0x1  }
0xbe: {  	_ =	sfence.sel $0xFFFF  }
0xbf: {  	[dreg:$0x0] =	wrdreg $0xFFFFFFFF;
	(pc) =	sbr.abs _section_cstart, $3  }
0xc0: {  	[dreg:$0x1] =	wrdreg $0xFFFFFFFF  }
0xc1: {  	_ =	task.clear_ibuf [dreg:s6], $0x2FFFF;
	_ =	strace $0x9FFFFFFF  }
0xc2: {  	(tm) =	ssettm $0x7FFFFFFF  }
0xc3: {  	_ =	shalt  }
tec
execute0_lowered:
.L_overlay_start_1:
0x0: {  	(tag) =	ssettag $0x1  }
0x1: {  	s1 =	srdreg.scid;
	s5 =	rddreg [dreg:$0x0]  }
0x2: {  	s0 =	stileid.u32;
	s2 =	rddreg [dreg:$0x1];
	s3 =	simm.s32 $0x0  }
0x3: {  	s14 =	simm.s32 $0x50;
	s15 =	simm.s32 $0x4F00;
	s16 =	simm.s32 $0x7700  }
0x4: {  	s17 =	simm.s32 $0x1;
	s18 =	simm.s32 $0x2;
	s19 =	simm.s32 $0x4E40  }
0x5: {  	s20 =	simm.s32 $0x0;
	s6 =	sand.u32 $0x1, s1;
	s1 =	rddreg [dreg:$0x2]  }
0x6: {  	s28 =	sshll.u32 s0, $0x1;
	[smem:$0x7FF] =	sst s3;
	s7 =	smul.u32 $0x13C00, s0  }
0x7: {  	s29 =	smul.u32 $0x4F000, s0;
	s31 =	sshll.u32 s0, $0x6;
	s4 =	sor.u32 s6, s28  }
0x8: {  	_ =	strace $0x8000004A;
	s8 =	smul.u32 $0x13C000, s6;
	s6 =	ssub.s32 $0x2, s6  }
0x9: {  	s4 =	smul.u32 $0x4E2, s4;
	s10 =	sshrl.u32 s7, $0x3;
	s11 =	sshrl.u32 s6, $0x1  }
0xa: {  	s30 =	sshrl.u32 s29, $0x2;
	s7 =	sadd.s32 s7, s8;
	s10 =	sadd.s32 s10, s5  }
0xb: {  	s11 =	ssub.s32 s6, s11;
	s13 =	sadd.s32 s30, s2;
	s6 =	sor.u32 $0x1C03, s31  }
0xc: {  	s9 =	sadd.s32 s4, s5;
	s4 =	sadd.s32 $0x90000, s5;
	s7 =	sshrl.u32 s7, $0x3  }
0xd: {  	s12 =	sadd.s32 s7, s5;
	s5 =	sadd.s32 $0x19800, s10;
	s7 =	sadd.s32 $0x5C00, s9  }
0xe: {  	s8 =	sadd.s32 $0xFA00, s9;
	s10 =	smax.u32 s11, $0x1;
	s11 =	sshrl.u32 s13, $0x3  }
0xf: {  	s13 =	simm.s32 $0x2780;
	s9 =	sadd.s32 $0xB7800, s12;
	s12 =	simm.s32 $0x3  }
.LBB2_1:
0x10: {  	[spmem:s11], [sflag:s6] =	dma.local [hbm:s5], $0x2780  }
0x11: {  	_ =	swait.ge [sflag:s12], $0x2780  }
0x12: {  	[sflag:s12] =	ssyncset.done $0x0  }
0x13: {  	[sflag:s12] =	ssyncadd.s32 $0xFFFFD880  }
0x14: {  	[tilespmem:s3], [sflag:$0x3] =	stream.linear.gather [hbm4b:s7+s3], $0x2710, $0x38;
	[tilespmem:$0x1DB00] =	vst v63  }
0x15: {  	_ =	swait.ge [sflag:s12], $0x2710  }
0x16: {  	[sflag:s12] =	ssyncset.done $0x0  }
0x17: {  	[sflag:s12] =	ssyncadd.s32 $0xFFFFD8F0  }
0x18: {  	[tilespmem:s13], [sflag:$0x3] =	stream.linear.gather [hbm4b:s8+s3], $0x2710, $0x38;
	[tilespmem:$0x1DB00] =	vst v63  }
0x19: {  	_ =	swait.ge [sflag:s12], $0x2710  }
0x1a: {  	[sflag:s12] =	ssyncset.done $0x0  }
0x1b: {  	[sflag:s12] =	ssyncadd.s32 $0xFFFFD8F0  }
0x1c: {  	[bflag:$0x0] =	sbarrier.arrive $0xFFFF  }
0x1d: {  	[tilespmem:s15], [sflag:$0x1] =	stream.indirect.gather [hbm4b:s4+s14], $0x80, s3, s14, $0xb8;
	[tilespmem:$0x1DB00] =	vst v63  }
0x1e: {  	s21 =	simm.s32 $0x50  }
0x1f: {  	[tilespmem:s16], [sflag:$0x2] =	stream.indirect.gather [hbm4b:s4+s14], $0x80, s21, s14, $0xb8;
	[tilespmem:$0x1DB00] =	vst v63  }
0x20: {  	_ =	swait.ge [sflag:s17], $0x2800  }
0x21: {  	[sflag:s17] =	ssyncset.done $0x0  }
0x22: {  	s29 =	simm.s32 $0x2780;
	[sflag:s17] =	ssyncadd.s32 $0xFFFFD800  }
0x23: {  	[spmem:s2] =	stream.indirect.scatter.add.f32 [tilespmem:s15], [sflag:$0x3], $0x80, s29, s14, $0xb8;
	[tilespmem:$0x1DB00] =	vst v63  }
0x24: {  	_ =	swait.ge [sflag:s12], $0x2800  }
0x25: {  	[sflag:s12] =	ssyncset.done $0x0  }
0x26: {  	s30 =	simm.s32 $0xA0;
	[sflag:s12] =	ssyncadd.s32 $0xFFFFD800  }
0x27: {  	[tilespmem:s15], [sflag:$0x1] =	stream.indirect.gather [hbm4b:s4+s14], $0x80, s30, s14, $0xb8;
	[tilespmem:$0x1DB00] =	vst v63  }
0x28: {  	_ =	swait.ge [sflag:s18], $0x2800  }
0x29: {  	[sflag:s18] =	ssyncset.done $0x0  }
0x2a: {  	s31 =	simm.s32 $0x27D0;
	[sflag:s18] =	ssyncadd.s32 $0xFFFFD800  }
0x2b: {  	[spmem:s2] =	stream.indirect.scatter.add.f32 [tilespmem:s16], [sflag:$0x3], $0x80, s31, s14, $0xb8;
	[tilespmem:$0x1DB00] =	vst v63  }
0x2c: {  	_ =	swait.ge [sflag:s12], $0x2800  }
0x2d: {  	s22 =	simm.s32 $0x500;
	s21 =	simm.s32 $0xA0;
	[sflag:s12] =	ssyncset.done $0x0  }
.LBB2_2:
0x2e: {  	s23 =	sadd.s32 $0x50, s21  }
0x2f: {  	[sflag:s12] =	ssyncadd.s32 $0xFFFFD800;
	s24 =	smov.u32 s22;
	s25 =	sadd.s32 $0x280, s22  }
0x30: {  	[tilespmem:s16], [sflag:$0x2] =	stream.indirect.gather [hbm4b:s4+s14], $0x80, s23, s14, $0xb8;
	[tilespmem:$0x1DB00] =	vst v63  }
0x31: {  	p0 =	sne.s32 s22, $0x9880;
	_ =	swait.ge [sflag:s17], $0x2800  }
0x32: {  	[sflag:s17] =	ssyncset.done $0x0  }
0x33: {  	s22 =	sadd.s32 $0x2780, s21;
	[sflag:s17] =	ssyncadd.s32 $0xFFFFD800  }
0x34: {  	[spmem:s2] =	stream.indirect.scatter.add.f32 [tilespmem:s15], [sflag:$0x3], $0x80, s22, s14, $0xb8;
	[tilespmem:$0x1DB00] =	vst v63  }
0x35: {  	_ =	swait.ge [sflag:s12], $0x2800  }
0x36: {  	[sflag:s12] =	ssyncset.done $0x0  }
0x37: {  	s22 =	sadd.s32 $0xA0, s21;
	[sflag:s12] =	ssyncadd.s32 $0xFFFFD800  }
0x38: {  	[tilespmem:s15], [sflag:$0x1] =	stream.indirect.gather [hbm4b:s4+s14], $0x80, s22, s14, $0xb8;
	[tilespmem:$0x1DB00] =	vst v63  }
0x39: {  	_ =	swait.ge [sflag:s18], $0x2800  }
.Ltmp0:
0x3a: {  	[sflag:s18] =	ssyncset.done $0x0;
	(pc) =	sbr.rel @p0 .LBB2_2-.Ltmp0, $4  }
0x3b: {  	s21 =	sadd.s32 $0x27D0, s21;
	[sflag:s18] =	ssyncadd.s32 $0xFFFFD800  }
0x3c: {  	[spmem:s2] =	stream.indirect.scatter.add.f32 [tilespmem:s16], [sflag:$0x3], $0x80, s21, s14, $0xb8;
	[tilespmem:$0x1DB00] =	vst v63  }
0x3d: {  	_ =	swait.ge [sflag:s12], $0x2800  }
0x3e: {  	s22 =	smov.u32 s25;
	s21 =	sshra.s32 s24, $0x2;
	[sflag:s12] =	ssyncset.done $0x0  }
0x3f: {  	s22 =	sadd.s32 $0x50, s21;
	[sflag:s12] =	ssyncadd.s32 $0xFFFFD800  }
0x40: {  	[tilespmem:s16], [sflag:$0x2] =	stream.indirect.gather [hbm4b:s4+s14], $0x80, s22, s14, $0xb8;
	[tilespmem:$0x1DB00] =	vst v63  }
0x41: {  	_ =	swait.ge [sflag:s17], $0x2800  }
0x42: {  	[sflag:s17] =	ssyncset.done $0x0  }
0x43: {  	s29 =	sadd.s32 $0x2780, s21;
	[sflag:s17] =	ssyncadd.s32 $0xFFFFD800  }
0x44: {  	[spmem:s2] =	stream.indirect.scatter.add.f32 [tilespmem:s15], [sflag:$0x3], $0x80, s29, s14, $0xb8;
	[tilespmem:$0x1DB00] =	vst v63  }
0x45: {  	_ =	swait.ge [sflag:s12], $0x2800  }
0x46: {  	[sflag:s12] =	ssyncset.done $0x0  }
0x47: {  	s30 =	sadd.s32 $0xA0, s21;
	[sflag:s12] =	ssyncadd.s32 $0xFFFFD800  }
0x48: {  	[tilespmem:s15], [sflag:$0x1] =	stream.indirect.gather [hbm4b:s4+s14], $0x80, s30, s14, $0xb8;
	[tilespmem:$0x1DB00] =	vst v63  }
0x49: {  	_ =	swait.ge [sflag:s18], $0x2800  }
0x4a: {  	[sflag:s18] =	ssyncset.done $0x0  }
0x4b: {  	s31 =	sadd.s32 $0x27D0, s21;
	[sflag:s18] =	ssyncadd.s32 $0xFFFFD800  }
0x4c: {  	[spmem:s2] =	stream.indirect.scatter.add.f32 [tilespmem:s16], [sflag:$0x3], $0x80, s31, s14, $0xb8;
	[tilespmem:$0x1DB00] =	vst v63  }
0x4d: {  	_ =	swait.ge [sflag:s12], $0x2800  }
0x4e: {  	[sflag:s12] =	ssyncset.done $0x0  }
0x4f: {  	[sflag:s12] =	ssyncadd.s32 $0xFFFFD800  }
0x50: {  	_ =	swait.ge [sflag:s17], $0x2800  }
0x51: {  	[sflag:s17] =	ssyncset.done $0x0  }
0x52: {  	[sflag:s17] =	ssyncadd.s32 $0xFFFFD800  }
0x53: {  	[spmem:s2] =	stream.indirect.scatter.add.f32 [tilespmem:s15], [sflag:$0x3], $0x80, s19, s14, $0xb8;
	[tilespmem:$0x1DB00] =	vst v63  }
0x54: {  	_ =	swait.ge [sflag:s12], $0x2800  }
0x55: {  	s20 =	sadd.s32 $0x1, s20;
	[sflag:s12] =	ssyncset.done $0x0  }
0x56: {  	p0 =	sne.s32 s20, s10;
	[sflag:s12] =	ssyncadd.s32 $0xFFFFD800  }
.Ltmp1:
0x57: {  	[bflag:$0x0] =	sbarrier.arrive $0xFFFF;
	(pc) =	sbr.rel @p0 .LBB2_1-.Ltmp1, $4  }
0x58: {  	[hbm:s9], [sflag:s6] =	dma.local [spmem:s11], $0x2780  }
0x59: {  	_ =	swait.ge [sflag:s12], $0x2780  }
0x5a: {  	[sflag:s12] =	ssyncset.done $0x0  }
0x5b: {  	[sflag:s12] =	ssyncadd.s32 $0xFFFFD880  }
0x5c: {  	_ =	sfence.sel $0x180000  }
0x5d: {  	[bflag:$0x0] =	sbarrier.arrive $0xFFFF  }
0x5e: {  	p0 =	sne.s32 s0, $0x0;
	_ =	strace $0x9000004A  }
0x5f: {  	s0 =	sadd.s32 @!p0 $0x100000, s1;
	[bflag:$0x2] =	sbarrier.arrive $0xFFFF  }
0x60: {  	[sflag:s0] =	ssyncadd.tile.s32 @!p0 $0x1;
	_ =	shalt  }
.Lfunc_end2:
_tile_overlayer_lowered:
.L_overlay_start_2:
0x61: {  	(tag) =	ssettag $0x2  }
0x62: {  	s0 =	rddreg [dreg:$0x0];
	s2 =	stileid.u32  }
0x63: {  	s1 =	rddreg [dreg:$0x1];
	p0 =	sne.s32 s2, $0x0  }
0x64: {  	s3 =	rddreg [dreg:$0x2];
	[bflag:$0x3] =	sbarrier.arrive $0xFFFF;
	s2 =	simm.s32 @!p0 $0x1C03  }
0x65: {  	[timem:s3], [sflag:s2] =	dma.local @!p0 [hbm:s0], s1  }
0x66: {  	s0 =	simm.s32 @!p0 $0x3  }
0x67: {  	_ =	swait.ge @!p0 [sflag:s0], s1  }
0x68: {  	s1 =	ssub.s32 @!p0 $0x0, s1;
	[sflag:s0] =	ssyncset.done @!p0 $0x0  }
0x69: {  	[sflag:s0] =	ssyncadd.s32 @!p0 s1  }
0x6a: {  	[bflag:$0x3] =	sbarrier.arrive $0xFFFF  }
0x6b: {  	_ =	shalt  }

// kernel: kernel.16.cloned.1.call-start
scs
__scs_entry_jumppad:
0x0: {  	(pc) =	sbr.rel $0x88, $3  }
0x1: {  	(tag) =	ssettag $0x0;
	lr =	simm.s32 $0x1  }
0x2: {  	[smem:$0x3F84] =	sst lr;
	_ =	strace $0xD0000000  }
0x3: {  	_ = 	snop  }
0x4: {  	_ = 	snop  }
0x5: {  	_ = 	snop  }
0x6: {  	_ = 	snop  }
0x7: {  	_ = 	snop  }
__scs_overlays_trampoline_lowered:
0x8: {  	[smem:$0x3F93] =	sst s0  }
0x9: {  	[smem:$0x3F94] =	sst s1  }
0xa: {  	[smem:$0x3F95] =	sst s2  }
0xb: {  	[smem:$0x3F96] =	sst s3  }
0xc: {  	[smem:$0x3F97] =	sst s4  }
0xd: {  	[smem:$0x3F98] =	sst s5  }
0xe: {  	[smem:$0x3F99] =	sst s6  }
0xf: {  	[smem:$0x3F9A] =	sst s7  }
0x10: {  	[smem:$0x3F9B] =	sst s8  }
0x11: {  	[smem:$0x3F9C] =	sst s9;
	s0 =	simm.s32 @!p0 $0x0  }
0x12: {  	s1 =	sld [smem:$0x3F82];
	s0 =	simm.s32 @p0 $0x1  }
0x13: {  	[smem:$0x3F9D] =	sst s0;
	s0 =	simm.s32 @!p1 $0x0  }
0x14: {  	s2 =	sld [smem:$0x3F81];
	s0 =	simm.s32 @p1 $0x1  }
0x15: {  	[smem:$0x3F9E] =	sst s0;
	s0 =	simm.s32 @!p2 $0x0  }
0x16: {  	s3 =	sld [smem:$0x3FDB];
	s0 =	simm.s32 @p2 $0x1  }
0x17: {  	s4 =	simm.s32 $0x1BF5;
	[smem:$0x3FA0] =	sst s0  }
0x18: {  	s0 =	sld [smem:$0x3F83];
	_ =	swait.ge [sflag:s4], $0x0  }
0x19: {  	s7 =	sld [smem:$0x3F84]  }
0x1a: {  	s8 =	sadd.s32 $0xFFFFE003, lr  }
0x1b: {  	s9 =	sadd.s32 $0xFFFFFEF7, lr;
	s5 =	simm.s32 $0xFFFFFFFF;
	p2 =	slt.u32 s8, $0xFFFFF086  }
0x1c: {  	p1 =	slt.u32 s9, $0xF7A;
	s5 =	simm.s32 @!p2 $0x0  }
0x1d: {  	s5 =	simm.s32 @p1 $0x1;
	p0 =	seq.s32 s7, s2  }
0x1e: {  	s7 =	smul.u32 @!p0 $0xF7A, s2;
	p2 =	seq.s32 @!p0 s5, $0x0  }
0x1f: {  	s9 =	smul.u32 $0xF7A, s1;
	s8 =	simm.s32 @!p0 $0x1BF5;
	p2 =	por !p2, p0  }
0x20: {  	[sflag:s8] =	ssyncset.s32 @!p0 $0xFFFFF086;
	s6 =	sadd.s32 @!p0 s3, s7;
	s7 =	simm.s32 @!p0 $0x108  }
0x21: {  	s3 =	sadd.s32 s3, s9;
	s6 =	sadd.s32 @!p0 $0x88, s6;
	s7 =	simm.s32 @p2 $0x1082  }
0x22: {  	[simem:s7], [sflag:s8] =	dma.local @!p0 [hbm:s6], $0xF7A  }
0x23: {  	s9 =	sor.u32 $0xD0000000, s2;
	s6 =	simm.s32 $0x108;
	_ =	swait.ge @!p0 [sflag:s8], $0x0  }
0x24: {  	s3 =	sadd.s32 $0x88, s3;
	s6 =	simm.s32 @!p1 $0x1082;
	[sflag:s4] =	ssyncset.s32 $0xFFFFF086  }
0x25: {  	[simem:s6], [sflag:s4] =	dma.local [hbm:s3], $0xF7A  }
0x26: {  	[smem:$0x3F84] =	sst s1;
	(tag) =	ssettag s2;
	_ =	strace s9  }
0x27: {  	s1 =	sld [smem:$0x3F94]  }
0x28: {  	s2 =	sld [smem:$0x3F95]  }
0x29: {  	s4 =	sld [smem:$0x3F97]  }
0x2a: {  	p0 =	seq.s32 s5, $0x0;
	s5 =	sld [smem:$0x3F98]  }
0x2b: {  	s6 =	sld [smem:$0x3F99]  }
0x2c: {  	s7 =	sld [smem:$0x3F9A]  }
0x2d: {  	s3 =	simm.s32 $0x108;
	s8 =	sld [smem:$0x3F9B]  }
0x2e: {  	s3 =	simm.s32 @!p0 $0x1082;
	s9 =	sld [smem:$0x3F9C]  }
0x2f: {  	lr =	sadd.s32 s0, s3;
	s0 =	sld [smem:$0x3F93]  }
0x30: {  	s3 =	sld [smem:$0x3F96]  }
0x31: {  	[smem:$0x3F9F] =	sst s10  }
0x32: {  	s10 =	sld [smem:$0x3F9D];
	_ =	sdelay $0x3  }
0x33: {  	p0 =	seq.s32 s10, $0x1;
	s10 =	sld [smem:$0x3F9F];
	_ =	sdelay $0x3  }
0x34: {  	[smem:$0x3F9F] =	sst s10  }
0x35: {  	s10 =	sld [smem:$0x3F9E];
	_ =	sdelay $0x3  }
0x36: {  	p1 =	seq.s32 s10, $0x1;
	s10 =	sld [smem:$0x3F9F];
	_ =	sdelay $0x3  }
0x37: {  	[smem:$0x3F9F] =	sst s10  }
0x38: {  	s10 =	sld [smem:$0x3FA0]  }
0x39: {  	_ = 	snop;
	(pc) =	sbr.ind lr, $3  }
0x3a: {  	_ = 	snop  }
0x3b: {  	_ = 	snop  }
0x3c: {  	p2 =	seq.s32 s10, $0x1;
	s10 =	sld [smem:$0x3F9F]  }
0x3d: {  	_ =	shalt  }
0x3e: {  	_ =	shalt  }
0x3f: {  	_ =	shalt  }
0x40: {  	_ =	shalt  }
0x41: {  	_ =	shalt  }
0x42: {  	_ =	shalt  }
0x43: {  	_ =	shalt  }
0x44: {  	_ =	shalt  }
0x45: {  	_ =	shalt  }
0x46: {  	_ =	shalt  }
0x47: {  	_ =	shalt  }
0x48: {  	_ =	shalt  }
0x49: {  	_ =	shalt  }
0x4a: {  	_ =	shalt  }
0x4b: {  	_ =	shalt  }
0x4c: {  	_ =	shalt  }
0x4d: {  	_ =	shalt  }
0x4e: {  	_ =	shalt  }
0x4f: {  	_ =	shalt  }
0x50: {  	_ =	shalt  }
0x51: {  	_ =	shalt  }
0x52: {  	_ =	shalt  }
0x53: {  	_ =	shalt  }
0x54: {  	_ =	shalt  }
0x55: {  	_ =	shalt  }
0x56: {  	_ =	shalt  }
0x57: {  	_ =	shalt  }
0x58: {  	_ =	shalt  }
0x59: {  	_ =	shalt  }
0x5a: {  	_ =	shalt  }
0x5b: {  	_ =	shalt  }
0x5c: {  	_ =	shalt  }
0x5d: {  	_ =	shalt  }
0x5e: {  	_ =	shalt  }
0x5f: {  	_ =	shalt  }
0x60: {  	_ =	shalt  }
0x61: {  	_ =	shalt  }
0x62: {  	_ =	shalt  }
0x63: {  	_ =	shalt  }
0x64: {  	_ =	shalt  }
0x65: {  	_ =	shalt  }
0x66: {  	_ =	shalt  }
0x67: {  	_ =	shalt  }
0x68: {  	_ =	shalt  }
0x69: {  	_ =	shalt  }
0x6a: {  	_ =	shalt  }
0x6b: {  	_ =	shalt  }
0x6c: {  	_ =	shalt  }
0x6d: {  	_ =	shalt  }
0x6e: {  	_ =	shalt  }
0x6f: {  	_ =	shalt  }
0x70: {  	_ =	shalt  }
0x71: {  	_ =	shalt  }
0x72: {  	_ =	shalt  }
0x73: {  	_ =	shalt  }
0x74: {  	_ =	shalt  }
0x75: {  	_ =	shalt  }
0x76: {  	_ =	shalt  }
0x77: {  	_ =	shalt  }
0x78: {  	_ =	shalt  }
0x79: {  	_ =	shalt  }
0x7a: {  	_ =	shalt  }
0x7b: {  	_ =	shalt  }
0x7c: {  	_ =	shalt  }
0x7d: {  	_ =	shalt  }
0x7e: {  	_ =	shalt  }
0x7f: {  	_ =	shalt  }
0x80: {  	_ =	shalt  }
0x81: {  	_ =	shalt  }
0x82: {  	_ =	shalt  }
0x83: {  	_ =	shalt  }
0x84: {  	_ =	shalt  }
0x85: {  	_ =	shalt  }
0x86: {  	_ =	shalt  }
0x87: {  	_ =	shalt  }
.Lfunc_end0:
.L_simem_size_0:
called_computation.2_lowered:
.L_overlay_start_0:
0x88: {  	s2 =	sld [smem:$0x3FD9]  }
0x89: {  	s3 =	sld [smem:$0x3FFE];
	_ =	sdelay $0x1  }
0x8a: {  	s1 =	srdreg.scid  }
0x8b: {  	s0 =	sand.u32 $0x1, s1  }
0x8c: {  	s16 =	sshll.u32 s0, $0xA;
	s2 =	sadd.s32 s3, s2  }
0x8d: {  	s2 =	sadd.s32 s2, s16  }
0x8e: {  	[smem:$0x3FAB] =	sst s2  }
0x8f: {  	_ = 	snop  }
0x90: {  	(tm) =	ssettm $0x1  }
0x91: {  	s17 =	sld [smem:$0x3FFB];
	_ =	sdelay $0x3  }
0x92: {  	_ =	strace s17  }
0x93: {  	s2 =	sld [smem:$0x3FFC];
	_ =	sdelay $0x3  }
0x94: {  	_ =	strace s2  }
0x95: {  	s2 =	sld [smem:$0x3FFD];
	_ =	sdelay $0x3  }
0x96: {  	_ =	strace s2  }
0x97: {  	_ =	strace $0x8FFFFFFF  }
0x98: {  	s18 =	sld [smem:$0x3FDB];
	_ =	sdelay $0x1  }
0x99: {  	s19 =	simm.s32 $_scs_section_size  }
0x9a: {  	s4 =	simm.s32 $_size__tile_overlayer_lowered;
	s5 =	simm.s32 $_tile_overlayer_lowered  }
0x9b: {  	s22 =	simm.s32 $0x1BFF;
	s21 =	sshll.u32 s5, $0x1;
	s2 =	sadd.s32 s19, s18  }
0x9c: {  	s6 =	simm.s32 $0x0;
	s20 =	sshll.u32 s4, $0x1;
	s4 =	sadd.s32 s21, s2  }
0x9d: {  	[timem:s6], [sflag:s22] =	dma.local [hbm:s4], s20  }
0x9e: {  	_ =	swait.ge [sflag:s22], s20  }
0x9f: {  	s3 =	ssub.s32 $0x0, s20;
	[sflag:s22] =	ssyncset.done $0x0  }
0xa0: {  	[sflag:s22] =	ssyncadd.s32 s3;
	_ =	sdelay $0x1  }
0xa1: {  	s23 =	simm.s32 $0x1B8B  }
0xa2: {  	_ =	swait.ge [sflag:s23], $0x1  }
0xa3: {  	[sflag:s23] =	ssyncset.done $0x0  }
0xa4: {  	s25 =	simm.s32 $0x1B8E;
	s24 =	sld [smem:$0x3FFE];
	[sflag:s23] =	ssyncadd.s32 $0xFFFFFFFF  }
0xa5: {  	s26 =	simm.s32 $execute0_lowered;
	[smem:$0x3FD2] =	sst s25  }
0xa6: {  	s4 =	sshll.u32 s26, $0x1;
	_ =	strace $0x8000004C;
	[dreg:$0x1] =	wrdreg $0xFFFFFFFF  }
0xa7: {  	s28 =	simm.s32 $_size_execute0_lowered;
	s2 =	sadd.s32 s2, s4;
	[dreg:$0x0] =	wrdreg $0x0  }
0xa8: {  	s4 =	sshll.u32 s28, $0x1;
	[dreg:$0x2] =	wrdreg s2  }
0xa9: {  	[dreg:$0x3] =	wrdreg s4  }
0xaa: {  	[dreg:$0x4] =	wrdreg $0xC0  }
0xab: {  	_ =	task [dreg:s6], $0x5FFFF  }
0xac: {  	[dreg:$0x1] =	wrdreg $0xFFFFFFFF  }
0xad: {  	[dreg:$0x0] =	wrdreg $0x60  }
0xae: {  	[dreg:$0x2] =	wrdreg s24  }
0xaf: {  	[dreg:$0x3] =	wrdreg $0x9F000  }
0xb0: {  	[dreg:$0x4] =	wrdreg $0x9  }
0xb1: {  	_ =	task.clear_ibuf [dreg:s6], $0x5FFFF;
	_ =	strace $0x9000004C  }
0xb2: {  	s29 =	simm.s32 $0x9;
	_ =	strace $0x8000004E  }
0xb3: {  	_ =	swait.ge [sflag:s29], $0x1  }
0xb4: {  	[sflag:s29] =	ssyncadd.s32 $0xFFFFFFFF  }
0xb5: {  	_ =	strace $0x9000004E  }
0xb6: {  	_ =	sfence  }
0xb7: {  	s30 =	sld [smem:$0x0];
	_ =	sdelay $0x2  }
0xb8: {  	s31 =	sshll.u32 s1, $0xD;
	s1 =	sshrl.u32 s1, $0x2  }
0xb9: {  	s3 =	sand.u32 $0x4000, s31;
	s1 =	sadd.s32 s1, s30  }
0xba: {  	s0 =	sor.u32 s3, s0;
	s1 =	sshll.u32 s1, $0x11  }
0xbb: {  	s0 =	sor.u32 s1, s0  }
0xbc: {  	s0 =	sadd.s32 $0x8F2B, s0  }
0xbd: {  	[sflag:s0] =	ssyncadd.remote.s32 $0x1  }
0xbe: {  	_ =	sfence.sel $0xFFFF  }
0xbf: {  	[dreg:$0x0] =	wrdreg $0xFFFFFFFF;
	(pc) =	sbr.abs _section_cstart, $3  }
0xc0: {  	[dreg:$0x1] =	wrdreg $0xFFFFFFFF  }
0xc1: {  	_ =	task.clear_ibuf [dreg:s6], $0x2FFFF;
	_ =	strace $0x9FFFFFFF  }
0xc2: {  	(tm) =	ssettm $0x7FFFFFFF  }
0xc3: {  	_ =	shalt  }
tec
execute0_lowered:
.L_overlay_start_1:
0x0: {  	(tag) =	ssettag $0x1  }
0x1: {  	s1 =	srdreg.scid;
	s5 =	rddreg [dreg:$0x0]  }
0x2: {  	s0 =	stileid.u32;
	s2 =	rddreg [dreg:$0x1];
	s3 =	simm.s32 $0x0  }
0x3: {  	s14 =	simm.s32 $0x50;
	s15 =	simm.s32 $0x4F00;
	s16 =	simm.s32 $0x7700  }
0x4: {  	s17 =	simm.s32 $0x1;
	s18 =	simm.s32 $0x2;
	s19 =	simm.s32 $0x4E40  }
0x5: {  	s20 =	simm.s32 $0x0;
	s6 =	sand.u32 $0x1, s1;
	s1 =	rddreg [dreg:$0x2]  }
0x6: {  	s28 =	sshll.u32 s0, $0x1;
	[smem:$0x7FF] =	sst s3;
	s7 =	smul.u32 $0x13C00, s0  }
0x7: {  	s29 =	smul.u32 $0x4F000, s0;
	s31 =	sshll.u32 s0, $0x6;
	s4 =	sor.u32 s6, s28  }
0x8: {  	_ =	strace $0x8000004D;
	s8 =	smul.u32 $0x13C000, s6;
	s6 =	ssub.s32 $0x2, s6  }
0x9: {  	s4 =	smul.u32 $0x4E2, s4;
	s10 =	sshrl.u32 s7, $0x3;
	s11 =	sshrl.u32 s6, $0x1  }
0xa: {  	s30 =	sshrl.u32 s29, $0x2;
	s7 =	sadd.s32 s7, s8;
	s10 =	sadd.s32 s10, s5  }
0xb: {  	s11 =	ssub.s32 s6, s11;
	s13 =	sadd.s32 s30, s2;
	s6 =	sor.u32 $0x1C03, s31  }
0xc: {  	s9 =	sadd.s32 s4, s5;
	s4 =	sadd.s32 $0x90000, s5;
	s7 =	sshrl.u32 s7, $0x3  }
0xd: {  	s12 =	sadd.s32 s7, s5;
	s5 =	sadd.s32 $0x19800, s10;
	s7 =	sadd.s32 $0x5C00, s9  }
0xe: {  	s8 =	sadd.s32 $0xFA00, s9;
	s10 =	smax.u32 s11, $0x1;
	s11 =	sshrl.u32 s13, $0x3  }
0xf: {  	s13 =	simm.s32 $0x2780;
	s9 =	sadd.s32 $0xB7800, s12;
	s12 =	simm.s32 $0x3  }
.LBB2_1:
0x10: {  	[spmem:s11], [sflag:s6] =	dma.local [hbm:s5], $0x2780  }
0x11: {  	_ =	swait.ge [sflag:s12], $0x2780  }
0x12: {  	[sflag:s12] =	ssyncset.done $0x0  }
0x13: {  	[sflag:s12] =	ssyncadd.s32 $0xFFFFD880  }
0x14: {  	[tilespmem:s3], [sflag:$0x3] =	stream.linear.gather [hbm4b:s7+s3], $0x2710, $0x38;
	[tilespmem:$0x1DB00] =	vst v63  }
0x15: {  	_ =	swait.ge [sflag:s12], $0x2710  }
0x16: {  	[sflag:s12] =	ssyncset.done $0x0  }
0x17: {  	[sflag:s12] =	ssyncadd.s32 $0xFFFFD8F0  }
0x18: {  	[tilespmem:s13], [sflag:$0x3] =	stream.linear.gather [hbm4b:s8+s3], $0x2710, $0x38;
	[tilespmem:$0x1DB00] =	vst v63  }
0x19: {  	_ =	swait.ge [sflag:s12], $0x2710  }
0x1a: {  	[sflag:s12] =	ssyncset.done $0x0  }
0x1b: {  	[sflag:s12] =	ssyncadd.s32 $0xFFFFD8F0  }
0x1c: {  	[bflag:$0x0] =	sbarrier.arrive $0xFFFF  }
0x1d: {  	[tilespmem:s15], [sflag:$0x1] =	stream.indirect.gather [hbm4b:s4+s14], $0x80, s3, s14, $0xb8;
	[tilespmem:$0x1DB00] =	vst v63  }
0x1e: {  	s21 =	simm.s32 $0x50  }
0x1f: {  	[tilespmem:s16], [sflag:$0x2] =	stream.indirect.gather [hbm4b:s4+s14], $0x80, s21, s14, $0xb8;
	[tilespmem:$0x1DB00] =	vst v63  }
0x20: {  	_ =	swait.ge [sflag:s17], $0x2800  }
0x21: {  	[sflag:s17] =	ssyncset.done $0x0  }
0x22: {  	s29 =	simm.s32 $0x2780;
	[sflag:s17] =	ssyncadd.s32 $0xFFFFD800  }
0x23: {  	[spmem:s2] =	stream.indirect.scatter.add.f32 [tilespmem:s15], [sflag:$0x3], $0x80, s29, s14, $0xb8;
	[tilespmem:$0x1DB00] =	vst v63  }
0x24: {  	_ =	swait.ge [sflag:s12], $0x2800  }
0x25: {  	[sflag:s12] =	ssyncset.done $0x0  }
0x26: {  	s30 =	simm.s32 $0xA0;
	[sflag:s12] =	ssyncadd.s32 $0xFFFFD800  }
0x27: {  	[tilespmem:s15], [sflag:$0x1] =	stream.indirect.gather [hbm4b:s4+s14], $0x80, s30, s14, $0xb8;
	[tilespmem:$0x1DB00] =	vst v63  }
0x28: {  	_ =	swait.ge [sflag:s18], $0x2800  }
0x29: {  	[sflag:s18] =	ssyncset.done $0x0  }
0x2a: {  	s31 =	simm.s32 $0x27D0;
	[sflag:s18] =	ssyncadd.s32 $0xFFFFD800  }
0x2b: {  	[spmem:s2] =	stream.indirect.scatter.add.f32 [tilespmem:s16], [sflag:$0x3], $0x80, s31, s14, $0xb8;
	[tilespmem:$0x1DB00] =	vst v63  }
0x2c: {  	_ =	swait.ge [sflag:s12], $0x2800  }
0x2d: {  	s22 =	simm.s32 $0x500;
	s21 =	simm.s32 $0xA0;
	[sflag:s12] =	ssyncset.done $0x0  }
.LBB2_2:
0x2e: {  	s23 =	sadd.s32 $0x50, s21  }
0x2f: {  	[sflag:s12] =	ssyncadd.s32 $0xFFFFD800;
	s24 =	smov.u32 s22;
	s25 =	sadd.s32 $0x280, s22  }
0x30: {  	[tilespmem:s16], [sflag:$0x2] =	stream.indirect.gather [hbm4b:s4+s14], $0x80, s23, s14, $0xb8;
	[tilespmem:$0x1DB00] =	vst v63  }
0x31: {  	p0 =	sne.s32 s22, $0x9880;
	_ =	swait.ge [sflag:s17], $0x2800  }
0x32: {  	[sflag:s17] =	ssyncset.done $0x0  }
0x33: {  	s22 =	sadd.s32 $0x2780, s21;
	[sflag:s17] =	ssyncadd.s32 $0xFFFFD800  }
0x34: {  	[spmem:s2] =	stream.indirect.scatter.add.f32 [tilespmem:s15], [sflag:$0x3], $0x80, s22, s14, $0xb8;
	[tilespmem:$0x1DB00] =	vst v63  }
0x35: {  	_ =	swait.ge [sflag:s12], $0x2800  }
0x36: {  	[sflag:s12] =	ssyncset.done $0x0  }
0x37: {  	s22 =	sadd.s32 $0xA0, s21;
	[sflag:s12] =	ssyncadd.s32 $0xFFFFD800  }
0x38: {  	[tilespmem:s15], [sflag:$0x1] =	stream.indirect.gather [hbm4b:s4+s14], $0x80, s22, s14, $0xb8;
	[tilespmem:$0x1DB00] =	vst v63  }
0x39: {  	_ =	swait.ge [sflag:s18], $0x2800  }
.Ltmp0:
0x3a: {  	[sflag:s18] =	ssyncset.done $0x0;
	(pc) =	sbr.rel @p0 .LBB2_2-.Ltmp0, $4  }
0x3b: {  	s21 =	sadd.s32 $0x27D0, s21;
	[sflag:s18] =	ssyncadd.s32 $0xFFFFD800  }
0x3c: {  	[spmem:s2] =	stream.indirect.scatter.add.f32 [tilespmem:s16], [sflag:$0x3], $0x80, s21, s14, $0xb8;
	[tilespmem:$0x1DB00] =	vst v63  }
0x3d: {  	_ =	swait.ge [sflag:s12], $0x2800  }
0x3e: {  	s22 =	smov.u32 s25;
	s21 =	sshra.s32 s24, $0x2;
	[sflag:s12] =	ssyncset.done $0x0  }
0x3f: {  	s22 =	sadd.s32 $0x50, s21;
	[sflag:s12] =	ssyncadd.s32 $0xFFFFD800  }
0x40: {  	[tilespmem:s16], [sflag:$0x2] =	stream.indirect.gather [hbm4b:s4+s14], $0x80, s22, s14, $0xb8;
	[tilespmem:$0x1DB00] =	vst v63  }
0x41: {  	_ =	swait.ge [sflag:s17], $0x2800  }
0x42: {  	[sflag:s17] =	ssyncset.done $0x0  }
0x43: {  	s29 =	sadd.s32 $0x2780, s21;
	[sflag:s17] =	ssyncadd.s32 $0xFFFFD800  }
0x44: {  	[spmem:s2] =	stream.indirect.scatter.add.f32 [tilespmem:s15], [sflag:$0x3], $0x80, s29, s14, $0xb8;
	[tilespmem:$0x1DB00] =	vst v63  }
0x45: {  	_ =	swait.ge [sflag:s12], $0x2800  }
0x46: {  	[sflag:s12] =	ssyncset.done $0x0  }
0x47: {  	s30 =	sadd.s32 $0xA0, s21;
	[sflag:s12] =	ssyncadd.s32 $0xFFFFD800  }
0x48: {  	[tilespmem:s15], [sflag:$0x1] =	stream.indirect.gather [hbm4b:s4+s14], $0x80, s30, s14, $0xb8;
	[tilespmem:$0x1DB00] =	vst v63  }
0x49: {  	_ =	swait.ge [sflag:s18], $0x2800  }
0x4a: {  	[sflag:s18] =	ssyncset.done $0x0  }
0x4b: {  	s31 =	sadd.s32 $0x27D0, s21;
	[sflag:s18] =	ssyncadd.s32 $0xFFFFD800  }
0x4c: {  	[spmem:s2] =	stream.indirect.scatter.add.f32 [tilespmem:s16], [sflag:$0x3], $0x80, s31, s14, $0xb8;
	[tilespmem:$0x1DB00] =	vst v63  }
0x4d: {  	_ =	swait.ge [sflag:s12], $0x2800  }
0x4e: {  	[sflag:s12] =	ssyncset.done $0x0  }
0x4f: {  	[sflag:s12] =	ssyncadd.s32 $0xFFFFD800  }
0x50: {  	_ =	swait.ge [sflag:s17], $0x2800  }
0x51: {  	[sflag:s17] =	ssyncset.done $0x0  }
0x52: {  	[sflag:s17] =	ssyncadd.s32 $0xFFFFD800  }
0x53: {  	[spmem:s2] =	stream.indirect.scatter.add.f32 [tilespmem:s15], [sflag:$0x3], $0x80, s19, s14, $0xb8;
	[tilespmem:$0x1DB00] =	vst v63  }
0x54: {  	_ =	swait.ge [sflag:s12], $0x2800  }
0x55: {  	s20 =	sadd.s32 $0x1, s20;
	[sflag:s12] =	ssyncset.done $0x0  }
0x56: {  	p0 =	sne.s32 s20, s10;
	[sflag:s12] =	ssyncadd.s32 $0xFFFFD800  }
.Ltmp1:
0x57: {  	[bflag:$0x0] =	sbarrier.arrive $0xFFFF;
	(pc) =	sbr.rel @p0 .LBB2_1-.Ltmp1, $4  }
0x58: {  	[hbm:s9], [sflag:s6] =	dma.local [spmem:s11], $0x2780  }
0x59: {  	_ =	swait.ge [sflag:s12], $0x2780  }
0x5a: {  	[sflag:s12] =	ssyncset.done $0x0  }
0x5b: {  	[sflag:s12] =	ssyncadd.s32 $0xFFFFD880  }
0x5c: {  	_ =	sfence.sel $0x180000  }
0x5d: {  	[bflag:$0x0] =	sbarrier.arrive $0xFFFF  }
0x5e: {  	p0 =	sne.s32 s0, $0x0;
	_ =	strace $0x9000004D  }
0x5f: {  	s0 =	sadd.s32 @!p0 $0x100000, s1;
	[bflag:$0x2] =	sbarrier.arrive $0xFFFF  }
0x60: {  	[sflag:s0] =	ssyncadd.tile.s32 @!p0 $0x1;
	_ =	shalt  }
.Lfunc_end2:
_tile_overlayer_lowered:
.L_overlay_start_2:
0x61: {  	(tag) =	ssettag $0x2  }
0x62: {  	s0 =	rddreg [dreg:$0x0];
	s2 =	stileid.u32  }
0x63: {  	s1 =	rddreg [dreg:$0x1];
	p0 =	sne.s32 s2, $0x0  }
0x64: {  	s3 =	rddreg [dreg:$0x2];
	[bflag:$0x3] =	sbarrier.arrive $0xFFFF;
	s2 =	simm.s32 @!p0 $0x1C03  }
0x65: {  	[timem:s3], [sflag:s2] =	dma.local @!p0 [hbm:s0], s1  }
0x66: {  	s0 =	simm.s32 @!p0 $0x3  }
0x67: {  	_ =	swait.ge @!p0 [sflag:s0], s1  }
0x68: {  	s1 =	ssub.s32 @!p0 $0x0, s1;
	[sflag:s0] =	ssyncset.done @!p0 $0x0  }
0x69: {  	[sflag:s0] =	ssyncadd.s32 @!p0 s1  }
0x6a: {  	[bflag:$0x3] =	sbarrier.arrive $0xFFFF  }
0x6b: {  	_ =	shalt  }

// kernel: kernel.19.cloned.1.call-start
scs
__scs_entry_jumppad:
0x0: {  	(pc) =	sbr.rel $0x88, $3  }
0x1: {  	(tag) =	ssettag $0x0;
	lr =	simm.s32 $0x1  }
0x2: {  	[smem:$0x3F84] =	sst lr;
	_ =	strace $0xD0000000  }
0x3: {  	_ = 	snop  }
0x4: {  	_ = 	snop  }
0x5: {  	_ = 	snop  }
0x6: {  	_ = 	snop  }
0x7: {  	_ = 	snop  }
__scs_overlays_trampoline_lowered:
0x8: {  	[smem:$0x3F93] =	sst s0  }
0x9: {  	[smem:$0x3F94] =	sst s1  }
0xa: {  	[smem:$0x3F95] =	sst s2  }
0xb: {  	[smem:$0x3F96] =	sst s3  }
0xc: {  	[smem:$0x3F97] =	sst s4  }
0xd: {  	[smem:$0x3F98] =	sst s5  }
0xe: {  	[smem:$0x3F99] =	sst s6  }
0xf: {  	[smem:$0x3F9A] =	sst s7  }
0x10: {  	[smem:$0x3F9B] =	sst s8  }
0x11: {  	[smem:$0x3F9C] =	sst s9;
	s0 =	simm.s32 @!p0 $0x0  }
0x12: {  	s1 =	sld [smem:$0x3F82];
	s0 =	simm.s32 @p0 $0x1  }
0x13: {  	[smem:$0x3F9D] =	sst s0;
	s0 =	simm.s32 @!p1 $0x0  }
0x14: {  	s2 =	sld [smem:$0x3F81];
	s0 =	simm.s32 @p1 $0x1  }
0x15: {  	[smem:$0x3F9E] =	sst s0;
	s0 =	simm.s32 @!p2 $0x0  }
0x16: {  	s3 =	sld [smem:$0x3FDB];
	s0 =	simm.s32 @p2 $0x1  }
0x17: {  	s4 =	simm.s32 $0x1BF5;
	[smem:$0x3FA0] =	sst s0  }
0x18: {  	s0 =	sld [smem:$0x3F83];
	_ =	swait.ge [sflag:s4], $0x0  }
0x19: {  	s7 =	sld [smem:$0x3F84]  }
0x1a: {  	s8 =	sadd.s32 $0xFFFFE003, lr  }
0x1b: {  	s9 =	sadd.s32 $0xFFFFFEF7, lr;
	s5 =	simm.s32 $0xFFFFFFFF;
	p2 =	slt.u32 s8, $0xFFFFF086  }
0x1c: {  	p1 =	slt.u32 s9, $0xF7A;
	s5 =	simm.s32 @!p2 $0x0  }
0x1d: {  	s5 =	simm.s32 @p1 $0x1;
	p0 =	seq.s32 s7, s2  }
0x1e: {  	s7 =	smul.u32 @!p0 $0xF7A, s2;
	p2 =	seq.s32 @!p0 s5, $0x0  }
0x1f: {  	s9 =	smul.u32 $0xF7A, s1;
	s8 =	simm.s32 @!p0 $0x1BF5;
	p2 =	por !p2, p0  }
0x20: {  	[sflag:s8] =	ssyncset.s32 @!p0 $0xFFFFF086;
	s6 =	sadd.s32 @!p0 s3, s7;
	s7 =	simm.s32 @!p0 $0x108  }
0x21: {  	s3 =	sadd.s32 s3, s9;
	s6 =	sadd.s32 @!p0 $0x88, s6;
	s7 =	simm.s32 @p2 $0x1082  }
0x22: {  	[simem:s7], [sflag:s8] =	dma.local @!p0 [hbm:s6], $0xF7A  }
0x23: {  	s9 =	sor.u32 $0xD0000000, s2;
	s6 =	simm.s32 $0x108;
	_ =	swait.ge @!p0 [sflag:s8], $0x0  }
0x24: {  	s3 =	sadd.s32 $0x88, s3;
	s6 =	simm.s32 @!p1 $0x1082;
	[sflag:s4] =	ssyncset.s32 $0xFFFFF086  }
0x25: {  	[simem:s6], [sflag:s4] =	dma.local [hbm:s3], $0xF7A  }
0x26: {  	[smem:$0x3F84] =	sst s1;
	(tag) =	ssettag s2;
	_ =	strace s9  }
0x27: {  	s1 =	sld [smem:$0x3F94]  }
0x28: {  	s2 =	sld [smem:$0x3F95]  }
0x29: {  	s4 =	sld [smem:$0x3F97]  }
0x2a: {  	p0 =	seq.s32 s5, $0x0;
	s5 =	sld [smem:$0x3F98]  }
0x2b: {  	s6 =	sld [smem:$0x3F99]  }
0x2c: {  	s7 =	sld [smem:$0x3F9A]  }
0x2d: {  	s3 =	simm.s32 $0x108;
	s8 =	sld [smem:$0x3F9B]  }
0x2e: {  	s3 =	simm.s32 @!p0 $0x1082;
	s9 =	sld [smem:$0x3F9C]  }
0x2f: {  	lr =	sadd.s32 s0, s3;
	s0 =	sld [smem:$0x3F93]  }
0x30: {  	s3 =	sld [smem:$0x3F96]  }
0x31: {  	[smem:$0x3F9F] =	sst s10  }
0x32: {  	s10 =	sld [smem:$0x3F9D];
	_ =	sdelay $0x3  }
0x33: {  	p0 =	seq.s32 s10, $0x1;
	s10 =	sld [smem:$0x3F9F];
	_ =	sdelay $0x3  }
0x34: {  	[smem:$0x3F9F] =	sst s10  }
0x35: {  	s10 =	sld [smem:$0x3F9E];
	_ =	sdelay $0x3  }
0x36: {  	p1 =	seq.s32 s10, $0x1;
	s10 =	sld [smem:$0x3F9F];
	_ =	sdelay $0x3  }
0x37: {  	[smem:$0x3F9F] =	sst s10  }
0x38: {  	s10 =	sld [smem:$0x3FA0]  }
0x39: {  	_ = 	snop;
	(pc) =	sbr.ind lr, $3  }
0x3a: {  	_ = 	snop  }
0x3b: {  	_ = 	snop  }
0x3c: {  	p2 =	seq.s32 s10, $0x1;
	s10 =	sld [smem:$0x3F9F]  }
0x3d: {  	_ =	shalt  }
0x3e: {  	_ =	shalt  }
0x3f: {  	_ =	shalt  }
0x40: {  	_ =	shalt  }
0x41: {  	_ =	shalt  }
0x42: {  	_ =	shalt  }
0x43: {  	_ =	shalt  }
0x44: {  	_ =	shalt  }
0x45: {  	_ =	shalt  }
0x46: {  	_ =	shalt  }
0x47: {  	_ =	shalt  }
0x48: {  	_ =	shalt  }
0x49: {  	_ =	shalt  }
0x4a: {  	_ =	shalt  }
0x4b: {  	_ =	shalt  }
0x4c: {  	_ =	shalt  }
0x4d: {  	_ =	shalt  }
0x4e: {  	_ =	shalt  }
0x4f: {  	_ =	shalt  }
0x50: {  	_ =	shalt  }
0x51: {  	_ =	shalt  }
0x52: {  	_ =	shalt  }
0x53: {  	_ =	shalt  }
0x54: {  	_ =	shalt  }
0x55: {  	_ =	shalt  }
0x56: {  	_ =	shalt  }
0x57: {  	_ =	shalt  }
0x58: {  	_ =	shalt  }
0x59: {  	_ =	shalt  }
0x5a: {  	_ =	shalt  }
0x5b: {  	_ =	shalt  }
0x5c: {  	_ =	shalt  }
0x5d: {  	_ =	shalt  }
0x5e: {  	_ =	shalt  }
0x5f: {  	_ =	shalt  }
0x60: {  	_ =	shalt  }
0x61: {  	_ =	shalt  }
0x62: {  	_ =	shalt  }
0x63: {  	_ =	shalt  }
0x64: {  	_ =	shalt  }
0x65: {  	_ =	shalt  }
0x66: {  	_ =	shalt  }
0x67: {  	_ =	shalt  }
0x68: {  	_ =	shalt  }
0x69: {  	_ =	shalt  }
0x6a: {  	_ =	shalt  }
0x6b: {  	_ =	shalt  }
0x6c: {  	_ =	shalt  }
0x6d: {  	_ =	shalt  }
0x6e: {  	_ =	shalt  }
0x6f: {  	_ =	shalt  }
0x70: {  	_ =	shalt  }
0x71: {  	_ =	shalt  }
0x72: {  	_ =	shalt  }
0x73: {  	_ =	shalt  }
0x74: {  	_ =	shalt  }
0x75: {  	_ =	shalt  }
0x76: {  	_ =	shalt  }
0x77: {  	_ =	shalt  }
0x78: {  	_ =	shalt  }
0x79: {  	_ =	shalt  }
0x7a: {  	_ =	shalt  }
0x7b: {  	_ =	shalt  }
0x7c: {  	_ =	shalt  }
0x7d: {  	_ =	shalt  }
0x7e: {  	_ =	shalt  }
0x7f: {  	_ =	shalt  }
0x80: {  	_ =	shalt  }
0x81: {  	_ =	shalt  }
0x82: {  	_ =	shalt  }
0x83: {  	_ =	shalt  }
0x84: {  	_ =	shalt  }
0x85: {  	_ =	shalt  }
0x86: {  	_ =	shalt  }
0x87: {  	_ =	shalt  }
.Lfunc_end0:
.L_simem_size_0:
called_computation.3_lowered:
.L_overlay_start_0:
0x88: {  	s2 =	sld [smem:$0x3FD9]  }
0x89: {  	s3 =	sld [smem:$0x3FFE];
	_ =	sdelay $0x1  }
0x8a: {  	s1 =	srdreg.scid  }
0x8b: {  	s0 =	sand.u32 $0x1, s1  }
0x8c: {  	s17 =	sshll.u32 s0, $0xA;
	s2 =	sadd.s32 s3, s2  }
0x8d: {  	s2 =	sadd.s32 s2, s17  }
0x8e: {  	[smem:$0x3FAB] =	sst s2  }
0x8f: {  	_ = 	snop  }
0x90: {  	s2 =	sld [smem:$0x3FD0];
	(tm) =	ssettm $0x1  }
0x91: {  	s18 =	sld [smem:$0x3FFB];
	_ =	sdelay $0x3  }
0x92: {  	_ =	strace s18  }
0x93: {  	s3 =	sld [smem:$0x3FFC];
	_ =	sdelay $0x3  }
0x94: {  	_ =	strace s3  }
0x95: {  	s3 =	sld [smem:$0x3FFD];
	_ =	sdelay $0x3  }
0x96: {  	_ =	strace s3  }
0x97: {  	_ =	strace $0x8FFFFFFF  }
0x98: {  	s19 =	sld [smem:$0x3FDB];
	_ =	sdelay $0x1  }
0x99: {  	s4 =	simm.s32 $_scs_section_size  }
0x9a: {  	s5 =	simm.s32 $_size__tile_overlayer_lowered;
	s6 =	simm.s32 $_tile_overlayer_lowered  }
0x9b: {  	s22 =	simm.s32 $0x1BFF;
	s21 =	sshll.u32 s6, $0x1;
	s3 =	sadd.s32 s4, s19  }
0x9c: {  	s7 =	simm.s32 $0x0;
	s20 =	sshll.u32 s5, $0x1;
	s5 =	sadd.s32 s21, s3  }
0x9d: {  	[timem:s7], [sflag:s22] =	dma.local [hbm:s5], s20  }
0x9e: {  	_ =	swait.ge [sflag:s22], s20  }
0x9f: {  	s4 =	ssub.s32 $0x0, s20;
	[sflag:s22] =	ssyncset.done $0x0  }
0xa0: {  	[sflag:s22] =	ssyncadd.s32 s4;
	_ =	sdelay $0x1  }
0xa1: {  	s23 =	simm.s32 $0x1B8B  }
0xa2: {  	_ =	swait.ge [sflag:s23], $0x1  }
0xa3: {  	[sflag:s23] =	ssyncset.done $0x0  }
0xa4: {  	s25 =	simm.s32 $0x1B8E;
	s24 =	sld [smem:$0x3FFE];
	[sflag:s23] =	ssyncadd.s32 $0xFFFFFFFF  }
0xa5: {  	s26 =	simm.s32 $execute0_lowered;
	[smem:$0x3FD2] =	sst s25  }
0xa6: {  	s5 =	sshll.u32 s26, $0x1;
	_ =	strace $0x8000004F;
	[dreg:$0x1] =	wrdreg $0xFFFFFFFF  }
0xa7: {  	s28 =	simm.s32 $_size_execute0_lowered;
	s3 =	sadd.s32 s3, s5;
	[dreg:$0x0] =	wrdreg $0x0  }
0xa8: {  	s5 =	sshll.u32 s28, $0x1;
	[dreg:$0x2] =	wrdreg s3  }
0xa9: {  	[dreg:$0x3] =	wrdreg s5  }
0xaa: {  	[dreg:$0x4] =	wrdreg $0xC0  }
0xab: {  	_ =	task [dreg:s7], $0x5FFFF  }
0xac: {  	[dreg:$0x1] =	wrdreg $0xFFFFFFFF  }
0xad: {  	[dreg:$0x0] =	wrdreg $0x60  }
0xae: {  	[dreg:$0x2] =	wrdreg s24  }
0xaf: {  	[dreg:$0x3] =	wrdreg s2  }
0xb0: {  	[dreg:$0x4] =	wrdreg $0xC0800  }
0xb1: {  	[dreg:$0x5] =	wrdreg $0x9  }
0xb2: {  	_ =	task.clear_ibuf [dreg:s7], $0x6FFFF;
	_ =	strace $0x9000004F  }
0xb3: {  	s29 =	simm.s32 $0x9;
	_ =	strace $0x80000051  }
0xb4: {  	_ =	swait.ge [sflag:s29], $0x1  }
0xb5: {  	[sflag:s29] =	ssyncadd.s32 $0xFFFFFFFF  }
0xb6: {  	_ =	strace $0x90000051  }
0xb7: {  	_ =	sfence  }
0xb8: {  	s30 =	sld [smem:$0x0];
	_ =	sdelay $0x2  }
0xb9: {  	s31 =	sshll.u32 s1, $0xD;
	s1 =	sshrl.u32 s1, $0x2  }
0xba: {  	s3 =	sand.u32 $0x4000, s31;
	s1 =	sadd.s32 s1, s30  }
0xbb: {  	s0 =	sor.u32 s3, s0;
	s1 =	sshll.u32 s1, $0x11  }
0xbc: {  	s0 =	sor.u32 s1, s0  }
0xbd: {  	s0 =	sadd.s32 $0x8F2B, s0  }
0xbe: {  	[sflag:s0] =	ssyncadd.remote.s32 $0x1  }
0xbf: {  	_ =	sfence.sel $0xFFFF  }
0xc0: {  	[dreg:$0x0] =	wrdreg $0xFFFFFFFF;
	(pc) =	sbr.abs _section_cstart, $3  }
0xc1: {  	[dreg:$0x1] =	wrdreg $0xFFFFFFFF  }
0xc2: {  	_ =	task.clear_ibuf [dreg:s7], $0x2FFFF;
	_ =	strace $0x9FFFFFFF  }
0xc3: {  	(tm) =	ssettm $0x7FFFFFFF  }
tec
execute0_lowered:
.L_overlay_start_1:
0x0: {  	(tag) =	ssettag $0x1  }
0x1: {  	s8 =	rddreg [dreg:$0x0]  }
0x2: {  	s10 =	rddreg [dreg:$0x1]  }
0x3: {  	s2 =	rddreg [dreg:$0x2]  }
0x4: {  	s0 =	rddreg [dreg:$0x3]  }
0x5: {  	s3 =	simm.s32 $0x0;
	s4 =	srdreg.scid;
	s1 =	stileid.u32  }
0x6: {  	[smem:$0x7FF] =	sst s3;
	s18 =	sand.u32 $0x1, s4;
	s28 =	sshll.u32 s1, $0x1  }
0x7: {  	s29 =	sshll.u32 s1, $0xB;
	s30 =	sshll.u32 s1, $0xE;
	s5 =	sshll.u32 s1, $0x6  }
0x8: {  	_ =	strace $0x80000050;
	s11 =	sor.u32 s18, s28;
	s19 =	sadd.s32 s29, s8  }
0x9: {  	s6 =	sadd.s32 s30, s2;
	s5 =	sor.u32 $0x1C01, s5;
	s9 =	smul.u32 $0x1800, s11  }
0xa: {  	s4 =	sadd.s32 $0x35C00, s19;
	s7 =	sshrl.u32 s6, $0x3;
	s6 =	simm.s32 $0x1  }
0xb: {  	[spmem:s7], [sflag:s5] =	dma.local [hbm:s4], $0x800  }
0xc: {  	_ =	swait.ge [sflag:s6], $0x800  }
0xd: {  	s8 =	sadd.s32 s9, s8;
	[sflag:s6] =	ssyncset.done $0x0  }
0xe: {  	s9 =	simm.s32 $0x80;
	s8 =	sadd.s32 $0x5C00, s8;
	[sflag:s6] =	ssyncadd.s32 $0xFFFFF800  }
0xf: {  	[tilespmem:s9], [sflag:$0x1] =	stream.linear.gather [hbm4b:s8+s3], $0xC000, $0x38;
	[tilespmem:$0x10080] =	vst v63  }
0x10: {  	s11 =	smul.u32 $0x180, s11;
	_ =	swait.ge [sflag:s6], $0xC000  }
0x11: {  	[sflag:s6] =	ssyncset.done $0x0  }
0x12: {  	s11 =	sshrl.u32 s11, $0x3;
	[sflag:s6] =	ssyncadd.s32 $0xFFFF4000  }
0x13: {  	s10 =	sadd.s32 s10, s11;
	[bflag:$0x0] =	sbarrier.arrive $0xFFFF  }
0x14: {  	[tilespmem:s3], [sflag:$0x1] =	stream.linear.gather [hbm4b:s10+s3], $0x60, $0x38;
	[tilespmem:$0x10080] =	vst v63  }
0x15: {  	_ =	swait.ge [sflag:s6], $0x60  }
0x16: {  	[sflag:s6] =	ssyncset.done $0x0  }
0x17: {  	s11 =	simm.s32 $0x60;
	[sflag:s6] =	ssyncadd.s32 $0xFFFFFFA0  }
0x18: {  	[spmem:s2] =	stream.indirect.scatter.add.f32 [tilespmem:s9], [sflag:$0x1], $0x80, s3, s11, $0xb8;
	[tilespmem:$0x10080] =	vst v63  }
0x19: {  	_ =	swait.ge [sflag:s6], $0x3000  }
0x1a: {  	[sflag:s6] =	ssyncset.done $0x0  }
0x1b: {  	s12 =	sadd.s32 $0xC, s10;
	[sflag:s6] =	ssyncadd.s32 $0xFFFFD000  }
0x1c: {  	[tilespmem:s3], [sflag:$0x1] =	stream.linear.gather [hbm4b:s12+s3], $0x60, $0x38;
	[tilespmem:$0x10080] =	vst v63  }
0x1d: {  	_ =	swait.ge [sflag:s6], $0x60  }
0x1e: {  	[sflag:s6] =	ssyncset.done $0x0  }
0x1f: {  	s13 =	simm.s32 $0x3080;
	[sflag:s6] =	ssyncadd.s32 $0xFFFFFFA0  }
0x20: {  	[spmem:s2] =	stream.indirect.scatter.add.f32 [tilespmem:s13], [sflag:$0x1], $0x80, s3, s11, $0xb8;
	[tilespmem:$0x10080] =	vst v63  }
0x21: {  	_ =	swait.ge [sflag:s6], $0x3000  }
0x22: {  	[sflag:s6] =	ssyncset.done $0x0  }
0x23: {  	s14 =	sadd.s32 $0x18, s10;
	[sflag:s6] =	ssyncadd.s32 $0xFFFFD000  }
0x24: {  	[tilespmem:s3], [sflag:$0x1] =	stream.linear.gather [hbm4b:s14+s3], $0x60, $0x38;
	[tilespmem:$0x10080] =	vst v63  }
0x25: {  	_ =	swait.ge [sflag:s6], $0x60  }
0x26: {  	[sflag:s6] =	ssyncset.done $0x0  }
0x27: {  	s15 =	simm.s32 $0x6080;
	[sflag:s6] =	ssyncadd.s32 $0xFFFFFFA0  }
0x28: {  	[spmem:s2] =	stream.indirect.scatter.add.f32 [tilespmem:s15], [sflag:$0x1], $0x80, s3, s11, $0xb8;
	[tilespmem:$0x10080] =	vst v63  }
0x29: {  	_ =	swait.ge [sflag:s6], $0x3000  }
0x2a: {  	[sflag:s6] =	ssyncset.done $0x0  }
0x2b: {  	s16 =	sadd.s32 $0x24, s10;
	[sflag:s6] =	ssyncadd.s32 $0xFFFFD000  }
0x2c: {  	[tilespmem:s3], [sflag:$0x1] =	stream.linear.gather [hbm4b:s16+s3], $0x60, $0x38;
	[tilespmem:$0x10080] =	vst v63  }
0x2d: {  	s20 =	ssub.s32 $0x2, s18;
	_ =	swait.ge [sflag:s6], $0x60  }
0x2e: {  	s21 =	sshrl.u32 s20, $0x1;
	[sflag:s6] =	ssyncset.done $0x0  }
0x2f: {  	s17 =	simm.s32 $0x9080;
	s20 =	ssub.s32 s20, s21;
	[sflag:s6] =	ssyncadd.s32 $0xFFFFFFA0  }
0x30: {  	[spmem:s2] =	stream.indirect.scatter.add.f32 [tilespmem:s17], [sflag:$0x1], $0x80, s3, s11, $0xb8;
	[tilespmem:$0x10080] =	vst v63  }
0x31: {  	s31 =	smax.u32 s20, $0x1;
	_ =	swait.ge [sflag:s6], $0x3000  }
0x32: {  	s18 =	sshll.u32 s18, $0xF;
	p0 =	sne.s32 s31, $0x1;
	[sflag:s6] =	ssyncset.done $0x0  }
.Ltmp0:
0x33: {  	s18 =	sadd.s32 s18, s19;
	[sflag:s6] =	ssyncadd.s32 $0xFFFFD000;
	(pc) =	sbr.rel @!p0 .LBB2_2-.Ltmp0, $4  }
0x34: {  	s18 =	sadd.s32 $0x3DC00, s18;
	[bflag:$0x0] =	sbarrier.arrive $0xFFFF  }
0x35: {  	[hbm:s18], [sflag:s5] =	dma.local [spmem:s7], $0x800  }
0x36: {  	_ =	swait.ge [sflag:s6], $0x800  }
0x37: {  	s19 =	sadd.s32 $0xFFFFFFFF, s31;
	[sflag:s6] =	ssyncset.done $0x0  }
.LBB2_1:
0x38: {  	p0 =	sne.s32 s19, $0x1;
	s19 =	sadd.s32 $0xFFFFFFFF, s19;
	[sflag:s6] =	ssyncadd.s32 $0xFFFFF800  }
0x39: {  	[spmem:s7], [sflag:s5] =	dma.local [hbm:s4], $0x800  }
0x3a: {  	_ =	swait.ge [sflag:s6], $0x800  }
0x3b: {  	[sflag:s6] =	ssyncset.done $0x0  }
0x3c: {  	[sflag:s6] =	ssyncadd.s32 $0xFFFFF800  }
0x3d: {  	[tilespmem:s9], [sflag:$0x1] =	stream.linear.gather [hbm4b:s8+s3], $0xC000, $0x38;
	[tilespmem:$0x10080] =	vst v63  }
0x3e: {  	_ =	swait.ge [sflag:s6], $0xC000  }
0x3f: {  	[sflag:s6] =	ssyncset.done $0x0  }
0x40: {  	[sflag:s6] =	ssyncadd.s32 $0xFFFF4000  }
0x41: {  	[bflag:$0x0] =	sbarrier.arrive $0xFFFF  }
0x42: {  	[tilespmem:s3], [sflag:$0x1] =	stream.linear.gather [hbm4b:s10+s3], $0x60, $0x38;
	[tilespmem:$0x10080] =	vst v63  }
0x43: {  	_ =	swait.ge [sflag:s6], $0x60  }
0x44: {  	[sflag:s6] =	ssyncset.done $0x0  }
0x45: {  	[sflag:s6] =	ssyncadd.s32 $0xFFFFFFA0  }
0x46: {  	[spmem:s2] =	stream.indirect.scatter.add.f32 [tilespmem:s9], [sflag:$0x1], $0x80, s3, s11, $0xb8;
	[tilespmem:$0x10080] =	vst v63  }
0x47: {  	_ =	swait.ge [sflag:s6], $0x3000  }
0x48: {  	[sflag:s6] =	ssyncset.done $0x0  }
0x49: {  	[sflag:s6] =	ssyncadd.s32 $0xFFFFD000  }
0x4a: {  	[tilespmem:s3], [sflag:$0x1] =	stream.linear.gather [hbm4b:s12+s3], $0x60, $0x38;
	[tilespmem:$0x10080] =	vst v63  }
0x4b: {  	_ =	swait.ge [sflag:s6], $0x60  }
0x4c: {  	[sflag:s6] =	ssyncset.done $0x0  }
0x4d: {  	[sflag:s6] =	ssyncadd.s32 $0xFFFFFFA0  }
0x4e: {  	[spmem:s2] =	stream.indirect.scatter.add.f32 [tilespmem:s13], [sflag:$0x1], $0x80, s3, s11, $0xb8;
	[tilespmem:$0x10080] =	vst v63  }
0x4f: {  	_ =	swait.ge [sflag:s6], $0x3000  }
0x50: {  	[sflag:s6] =	ssyncset.done $0x0  }
0x51: {  	[sflag:s6] =	ssyncadd.s32 $0xFFFFD000  }
0x52: {  	[tilespmem:s3], [sflag:$0x1] =	stream.linear.gather [hbm4b:s14+s3], $0x60, $0x38;
	[tilespmem:$0x10080] =	vst v63  }
0x53: {  	_ =	swait.ge [sflag:s6], $0x60  }
0x54: {  	[sflag:s6] =	ssyncset.done $0x0  }
0x55: {  	[sflag:s6] =	ssyncadd.s32 $0xFFFFFFA0  }
0x56: {  	[spmem:s2] =	stream.indirect.scatter.add.f32 [tilespmem:s15], [sflag:$0x1], $0x80, s3, s11, $0xb8;
	[tilespmem:$0x10080] =	vst v63  }
0x57: {  	_ =	swait.ge [sflag:s6], $0x3000  }
0x58: {  	[sflag:s6] =	ssyncset.done $0x0  }
0x59: {  	[sflag:s6] =	ssyncadd.s32 $0xFFFFD000  }
0x5a: {  	[tilespmem:s3], [sflag:$0x1] =	stream.linear.gather [hbm4b:s16+s3], $0x60, $0x38;
	[tilespmem:$0x10080] =	vst v63  }
0x5b: {  	_ =	swait.ge [sflag:s6], $0x60  }
0x5c: {  	[sflag:s6] =	ssyncset.done $0x0  }
0x5d: {  	[sflag:s6] =	ssyncadd.s32 $0xFFFFFFA0  }
0x5e: {  	[spmem:s2] =	stream.indirect.scatter.add.f32 [tilespmem:s17], [sflag:$0x1], $0x80, s3, s11, $0xb8;
	[tilespmem:$0x10080] =	vst v63  }
0x5f: {  	_ =	swait.ge [sflag:s6], $0x3000  }
0x60: {  	[sflag:s6] =	ssyncset.done $0x0  }
.Ltmp1:
0x61: {  	[sflag:s6] =	ssyncadd.s32 $0xFFFFD000;
	(pc) =	sbr.rel @p0 .LBB2_1-.Ltmp1, $4  }
0x62: {  	[bflag:$0x0] =	sbarrier.arrive $0xFFFF  }
0x63: {  	[hbm:s18], [sflag:s5] =	dma.local [spmem:s7], $0x800  }
0x64: {  	_ =	swait.ge [sflag:s6], $0x800  }
0x65: {  	[sflag:s6] =	ssyncset.done $0x0  }
.LBB2_2:
0x66: {  	[sflag:s6] =	ssyncadd.s32 $0xFFFFF800  }
0x67: {  	_ =	sfence.sel $0x180000  }
0x68: {  	[bflag:$0x0] =	sbarrier.arrive $0xFFFF  }
0x69: {  	p0 =	sne.s32 s1, $0x0;
	_ =	strace $0x90000050  }
0x6a: {  	s0 =	sadd.s32 @!p0 $0x100000, s0;
	[bflag:$0x2] =	sbarrier.arrive $0xFFFF  }
0x6b: {  	[sflag:s0] =	ssyncadd.tile.s32 @!p0 $0x1;
	_ =	shalt  }
.Lfunc_end2:
_tile_overlayer_lowered:
.L_overlay_start_2:
0x6c: {  	(tag) =	ssettag $0x2  }
0x6d: {  	s0 =	rddreg [dreg:$0x0];
	s2 =	stileid.u32  }
0x6e: {  	s1 =	rddreg [dreg:$0x1];
	p0 =	sne.s32 s2, $0x0  }
0x6f: {  	s3 =	rddreg [dreg:$0x2];
	[bflag:$0x3] =	sbarrier.arrive $0xFFFF;
	s2 =	simm.s32 @!p0 $0x1C01  }
0x70: {  	[timem:s3], [sflag:s2] =	dma.local @!p0 [hbm:s0], s1  }
0x71: {  	s0 =	simm.s32 @!p0 $0x1  }
0x72: {  	_ =	swait.ge @!p0 [sflag:s0], s1  }
0x73: {  	s1 =	ssub.s32 @!p0 $0x0, s1;
	[sflag:s0] =	ssyncset.done @!p0 $0x0  }
0x74: {  	[sflag:s0] =	ssyncadd.s32 @!p0 s1  }
0x75: {  	[bflag:$0x3] =	sbarrier.arrive $0xFFFF  }
0x76: {  	_ =	shalt  }

</sc_bundles>
